<compile_context>
chip_gen: v7x
topology: tpu7x:2x2x1
jax: 0.10.2.dev20260603
libtpu: 0.0.44.dev20260713+nightly
codegen_flags: <defaults>
</compile_context>

<pallas_src>
import jax
import jax.numpy as jnp
import numpy as np
from jax import lax
from jax.experimental import pallas as pl
from jax.experimental.pallas import tpu as pltpu
from jax.experimental.pallas import tpu_sc as plsc

N = 10000
E = 320000
D = 128

NC = 2
NS = 16
NW = NC * NS
B = 128
NSUB = 1
BSUB = B // NSUB
K0 = 80
K1 = 80
CH = 40
NPH = K0 // CH
E_PAD = NS * (K0 + K1) * B
NPAD = 10112
ROWS_T = NPAD // NS

_PAD2 = np.stack([np.arange(E_PAD - E, dtype=np.int32) % N,
                  N + np.arange(E_PAD - E, dtype=np.int32) % (NPAD - N)])


def _sc_agg_body(x_hbm, ei_hbm, z_hbm, out_hbm,
                 src_v, dst_v, rows0, rows1, acc_sh, sem0, sem1):
    c = lax.axis_index("c")
    s = lax.axis_index("s")
    base = jnp.where(c == 0, s * K0, NS * K0 + s * K1)
    nb = jnp.where(c == 0, K0, K1)
    pltpu.sync_copy(z_hbm, acc_sh.at[pl.ds(s * ROWS_T, ROWS_T)])
    plsc.subcore_barrier()

    def fire(j, buf, sem):
        for q in range(NSUB):
            pltpu.async_copy(x_hbm.at[src_v.at[j, pl.ds(q * BSUB, BSUB)]],
                             buf.at[pl.ds(q * BSUB, BSUB)], sem)

    def drain(buf, sem):
        pltpu.make_async_copy(x_hbm.at[src_v.at[0]], buf, sem).wait()

    for ph in range(NPH):
        @pl.when(ph * CH < nb)
        def _():
            pltpu.sync_copy(ei_hbm.at[0, pl.ds(base + ph * CH, CH)], src_v)
            pltpu.sync_copy(ei_hbm.at[1, pl.ds(base + ph * CH, CH)], dst_v)
            fire(0, rows0, sem0)

            def step(i, carry):
                j0 = 2 * i
                j1 = j0 + 1
                drain(rows0, sem0)
                fire(j1, rows1, sem1)
                pltpu.sync_copy(rows0, acc_sh.at[dst_v.at[j0]], add=True)
                drain(rows1, sem1)

                @pl.when(i < CH // 2 - 1)
                def _():
                    fire(j0 + 2, rows0, sem0)

                pltpu.sync_copy(rows1, acc_sh.at[dst_v.at[j1]], add=True)
                return carry

            lax.fori_loop(0, CH // 2, step, 0)

    plsc.subcore_barrier()
    pltpu.sync_copy(acc_sh.at[pl.ds(s * ROWS_T, ROWS_T)],
                    out_hbm.at[c, pl.ds(s * ROWS_T, ROWS_T)])


_sc_agg = pl.kernel(
    _sc_agg_body,
    mesh=plsc.VectorSubcoreMesh(core_axis_name="c", subcore_axis_name="s"),
    out_type=jax.ShapeDtypeStruct((NC, NPAD, D), jnp.float32),
    scratch_types=[
        pltpu.VMEM((CH, B), jnp.int32),
        pltpu.VMEM((CH, B), jnp.int32),
        pltpu.VMEM((B, D), jnp.float32),
        pltpu.VMEM((B, D), jnp.float32),
        pltpu.VMEM_SHARED((NPAD, D), jnp.float32),
        pltpu.SemaphoreType.DMA,
        pltpu.SemaphoreType.DMA,
    ],
)


def _tc_body(x_b, a0_b, a1_b, bnd_b, rw_b, w1_b, w2_b, bias_b, g_b, be_b, o_b):
    h2 = (a0_b[0] + a1_b[0]) * rw_b[...] + bnd_b[...]
    acc = jnp.dot(x_b[...], w1_b[...], preferred_element_type=jnp.float32)
    acc = acc + jnp.dot(h2, w2_b[...], preferred_element_type=jnp.float32)
    acc = acc + bias_b[...]
    mu = jnp.mean(acc, axis=1, keepdims=True)
    var = jnp.mean(jnp.square(acc - mu), axis=1, keepdims=True)
    y = (acc - mu) * lax.rsqrt(var + 1e-5)
    y = y * g_b[...] + be_b[...]
    o_b[...] = jnp.maximum(y, 0.0)


_R = 2000


def _tc_stage(x, agg, boundary, rw, w1t, w2t, bias, gamma, beta):
    row_spec = pl.BlockSpec((_R, D), lambda i: (i, 0))
    agg0_spec = pl.BlockSpec((1, _R, D), lambda i: (0, i, 0))
    agg1_spec = pl.BlockSpec((1, _R, D), lambda i: (1, i, 0))
    full_spec = pl.BlockSpec((D, D), lambda i: (0, 0))
    vec_spec = pl.BlockSpec((1, D), lambda i: (0, 0))
    return pl.pallas_call(
        _tc_body,
        grid=(N // _R,),
        in_specs=[row_spec, agg0_spec, agg1_spec, row_spec,
                  vec_spec, full_spec, full_spec, vec_spec, vec_spec, vec_spec],
        out_specs=row_spec,
        out_shape=jax.ShapeDtypeStruct((N, D), jnp.float32),
    )(x, agg, agg, boundary, rw, w1t, w2t, bias, gamma, beta)


def kernel(x, boundary, edge_index, relation_weight, W, b, gamma, beta):
    ei_p = jnp.concatenate([edge_index, jnp.asarray(_PAD2)],
                           axis=1).reshape(2, -1, B)
    zeros = jnp.zeros((ROWS_T, D), jnp.float32)

    agg = _sc_agg(x, ei_p, zeros)

    w1t = W[:, :D].T
    w2t = W[:, D:].T
    return _tc_stage(x, agg, boundary,
                     relation_weight.reshape(1, D), w1t, w2t,
                     b.reshape(1, D), gamma.reshape(1, D), beta.reshape(1, D))

# --- scband reference (transcript-rebuilt; emitter-appended) ---
"""Pipeline reference for scband-nbfmodule-6081673691197 (READ-ONLY COPY).

The authoritative reference and input builder live on the scoring server;
editing this copy changes nothing except your own understanding.
"""

import jax, jax.numpy as jnp
import numpy as np

N = 10000
E = 320000
D_IN = 128
D_OUT = 128


def setup_inputs(seed: int = 0) -> dict:
    key = jax.random.key(seed)
    ks = jax.random.split(key, 8)
    x = jax.random.normal(ks[0], (N, D_IN), dtype=jnp.float32)
    boundary = jax.random.normal(ks[1], (N, D_IN), dtype=jnp.float32)
    edge_index = jax.random.randint(ks[2], (2, E), 0, N, dtype=jnp.int32)
    # learned params
    relation_weight = jax.random.normal(ks[3], (1, D_IN), dtype=jnp.float32)  # Embedding(1, in_channels)
    W = jax.random.normal(ks[4], (D_OUT, 2 * D_IN), dtype=jnp.float32) * (1.0 / np.sqrt(2 * D_IN))
    b = jnp.zeros((D_OUT,), dtype=jnp.float32)
    gamma = jnp.ones((D_OUT,), dtype=jnp.float32)
    beta = jnp.zeros((D_OUT,), dtype=jnp.float32)
    return {"x": x, "boundary": boundary, "edge_index": edge_index,
            "relation_weight": relation_weight, "W": W, "b": b,
            "gamma": gamma, "beta": beta}


def reference(x, boundary, edge_index, relation_weight, W, b, gamma, beta):
    # NBFConv (aggr='add', flow=source_to_target): x_j gathered at src, summed at dst
    src = edge_index[0]
    dst = edge_index[1]
    x0 = x
    x_j = jnp.take(x, src, axis=0)                      # gather [E, D]
    msg = relation_weight * x_j                          # [1,D] * [E,D]
    agg = jax.ops.segment_sum(msg, dst, num_segments=N)  # scatter-add [N, D]
    h = agg + boundary
    h = jnp.concatenate([x0, h], axis=-1)                # [N, 2D]
    h = h @ W.T + b                                      # Linear
    # LayerNorm over last dim
    mean = jnp.mean(h, axis=-1, keepdims=True)
    var = jnp.var(h, axis=-1, keepdims=True)
    h = (h - mean) / jnp.sqrt(var + 1e-5) * gamma + beta
    # ReLU
    return jax.nn.relu(h)

if __name__ == "__main__":
    import jax
    _d = setup_inputs()
    print(jax.jit(kernel)(*tuple(_d.values())))

</pallas_src>

<mosaic_0001>
#map = affine_map<(d0, d1) -> (0, 0)>
#map1 = affine_map<(d0, d1) -> (0, 0, 0)>
module attributes {stable_mosaic.version = 14 : i64} {
  func.func @_sc_agg_body(%arg0: i32, %arg1: i32, %arg2: memref<10000x128xf32, #tpu.memory_space<hbm>>, %arg3: memref<2x2560x128xi32, #tpu.memory_space<hbm>>, %arg4: memref<632x128xf32, #tpu.memory_space<hbm>>, %arg5: memref<2x10112x128xf32, #tpu.memory_space<hbm>>, %arg6: memref<40x128xi32, #tpu.memory_space<vmem>>, %arg7: memref<40x128xi32, #tpu.memory_space<vmem>>, %arg8: memref<128x128xf32, #tpu.memory_space<vmem>>, %arg9: memref<128x128xf32, #tpu.memory_space<vmem>>, %arg10: memref<10112x128xf32, #tpu.memory_space<vmem_shared>>, %arg11: memref<!tpu.dma_semaphore, #tpu.memory_space<semaphore_mem>>, %arg12: memref<!tpu.dma_semaphore, #tpu.memory_space<semaphore_mem>>) attributes {dimension_semantics = [#tpu.dimension_semantics<core_parallel>, #tpu.dimension_semantics<subcore_parallel>], iteration_bounds = array<i64: 2, 16>, scalar_prefetch = 0 : i64, scratch_operands = 7 : i64, tpu.core_type = #tpu.core_type<sc_vector_subcore>, window_params = [{transform_indices = #map}, {transform_indices = #map1}, {transform_indices = #map}, {transform_indices = #map1}]} {
    %eq3A = arith.constant 0 : i32
    %eq3A_0 = arith.cmpi eq, %arg0, %eq3A : i32
    %mul3A = arith.constant 80 : i32
    %mul3A_1 = arith.muli %arg1, %mul3A : i32
    %mul3A_2 = arith.constant 80 : i32
    %mul3A_3 = arith.muli %arg1, %mul3A_2 : i32
    %add3A = arith.constant 1280 : i32
    %add3A_4 = arith.addi %add3A, %mul3A_3 : i32
    %select_n3A = arith.select %eq3A_0, %mul3A_1, %add3A_4 : i32
    %eq3A_5 = arith.constant 0 : i32
    %eq3A_6 = arith.cmpi eq, %arg0, %eq3A_5 : i32
    %jit3A = arith.constant 80 : i32
    %jit3A_7 = arith.constant 80 : i32
    %select_n3A_8 = arith.select %eq3A_6, %jit3A, %jit3A_7 : i32
    %mul3A_9 = arith.constant 632 : i32
    %mul3A_10 = arith.muli %arg1, %mul3A_9 : i32
    "tpu.region"() ({
      %run_scoped3A = tpu.sem_alloc : memref<!tpu.dma_semaphore, #tpu.memory_space<semaphore_mem>>
      %dma_start3A = arith.constant 0 : i32
      %dma_start3A_23 = tpu.memref_slice %arg10[%mul3A_10, %dma_start3A] : memref<10112x128xf32, #tpu.memory_space<vmem_shared>> -> memref<632x128xf32, #tpu.memory_space<vmem_shared>>
      tpu.enqueue_dma source(%arg4 : memref<632x128xf32, #tpu.memory_space<hbm>>) target(%dma_start3A_23 : memref<632x128xf32, #tpu.memory_space<vmem_shared>>) target_semaphore(%run_scoped3A : memref<!tpu.dma_semaphore, #tpu.memory_space<semaphore_mem>>)
      %dma_wait3A = arith.constant 0 : i32
      %dma_wait3A_24 = tpu.memref_slice %arg10[%mul3A_10, %dma_wait3A] : memref<10112x128xf32, #tpu.memory_space<vmem_shared>> -> memref<632x128xf32, #tpu.memory_space<vmem_shared>>
      tpu.wait_dma2 semaphore(%run_scoped3A : memref<!tpu.dma_semaphore, #tpu.memory_space<semaphore_mem>>) src(%arg4 : memref<632x128xf32, #tpu.memory_space<hbm>>) dst(%dma_wait3A_24 : memref<632x128xf32, #tpu.memory_space<vmem_shared>>)
      tpu.yield
    }) : () -> ()
    %barrier3A = arith.constant 0 : index
    tpu.barrier barrier_id(%barrier3A)
    %gt3A = arith.constant 0 : i32
    %gt3A_11 = arith.cmpi sgt, %select_n3A_8, %gt3A : i32
    %convert_element_type3A = arith.extui %gt3A_11 : i1 to i32
    %cond3A = arith.constant 0 : i32
    %cond3A_12 = arith.cmpi ne, %convert_element_type3A, %cond3A : i32
    scf.if %cond3A_12 {
      %add3A_23 = arith.constant 0 : i32
      %add3A_24 = arith.addi %select_n3A, %add3A_23 : i32
      %run_scoped3A = arith.constant 0 : i32
      "tpu.region"() ({
        %run_scoped3A_42 = tpu.sem_alloc : memref<!tpu.dma_semaphore, #tpu.memory_space<semaphore_mem>>
        %dma_start3A_43 = arith.constant 0 : i32
        %dma_start3A_44 = tpu.memref_slice %arg3[%run_scoped3A, %add3A_24, %dma_start3A_43] : memref<2x2560x128xi32, #tpu.memory_space<hbm>> -> memref<1x40x128xi32, #tpu.memory_space<hbm>>
        %dma_start3A_45 = tpu.memref_squeeze %dma_start3A_44 : memref<1x40x128xi32, #tpu.memory_space<hbm>> -> memref<40x128xi32, #tpu.memory_space<hbm>>
        %dma_start3A_46 = arith.constant 0 : i32
        %dma_start3A_47 = tpu.memref_slice %arg3[%run_scoped3A, %add3A_24, %dma_start3A_46] : memref<2x2560x128xi32, #tpu.memory_space<hbm>> -> memref<1x40x128xi32, #tpu.memory_space<hbm>>
        %dma_start3A_48 = tpu.memref_squeeze %dma_start3A_47 : memref<1x40x128xi32, #tpu.memory_space<hbm>> -> memref<40x128xi32, #tpu.memory_space<hbm>>
        tpu.enqueue_dma source(%dma_start3A_48 : memref<40x128xi32, #tpu.memory_space<hbm>>) target(%arg6 : memref<40x128xi32, #tpu.memory_space<vmem>>) target_semaphore(%run_scoped3A_42 : memref<!tpu.dma_semaphore, #tpu.memory_space<semaphore_mem>>)
        %dma_wait3A = arith.constant 0 : i32
        %dma_wait3A_49 = tpu.memref_slice %arg3[%run_scoped3A, %add3A_24, %dma_wait3A] : memref<2x2560x128xi32, #tpu.memory_space<hbm>> -> memref<1x40x128xi32, #tpu.memory_space<hbm>>
        %dma_wait3A_50 = tpu.memref_squeeze %dma_wait3A_49 : memref<1x40x128xi32, #tpu.memory_space<hbm>> -> memref<40x128xi32, #tpu.memory_space<hbm>>
        %dma_wait3A_51 = arith.constant 0 : i32
        %dma_wait3A_52 = tpu.memref_slice %arg3[%run_scoped3A, %add3A_24, %dma_wait3A_51] : memref<2x2560x128xi32, #tpu.memory_space<hbm>> -> memref<1x40x128xi32, #tpu.memory_space<hbm>>
        %dma_wait3A_53 = tpu.memref_squeeze %dma_wait3A_52 : memref<1x40x128xi32, #tpu.memory_space<hbm>> -> memref<40x128xi32, #tpu.memory_space<hbm>>
        tpu.wait_dma2 semaphore(%run_scoped3A_42 : memref<!tpu.dma_semaphore, #tpu.memory_space<semaphore_mem>>) src(%dma_wait3A_53 : memref<40x128xi32, #tpu.memory_space<hbm>>) dst(%arg6 : memref<40x128xi32, #tpu.memory_space<vmem>>)
        tpu.yield
      }) : () -> ()
      %add3A_25 = arith.constant 0 : i32
      %add3A_26 = arith.addi %select_n3A, %add3A_25 : i32
      %run_scoped3A_27 = arith.constant 1 : i32
      "tpu.region"() ({
        %run_scoped3A_42 = tpu.sem_alloc : memref<!tpu.dma_semaphore, #tpu.memory_space<semaphore_mem>>
        %dma_start3A_43 = arith.constant 0 : i32
        %dma_start3A_44 = tpu.memref_slice %arg3[%run_scoped3A_27, %add3A_26, %dma_start3A_43] : memref<2x2560x128xi32, #tpu.memory_space<hbm>> -> memref<1x40x128xi32, #tpu.memory_space<hbm>>
        %dma_start3A_45 = tpu.memref_squeeze %dma_start3A_44 : memref<1x40x128xi32, #tpu.memory_space<hbm>> -> memref<40x128xi32, #tpu.memory_space<hbm>>
        %dma_start3A_46 = arith.constant 0 : i32
        %dma_start3A_47 = tpu.memref_slice %arg3[%run_scoped3A_27, %add3A_26, %dma_start3A_46] : memref<2x2560x128xi32, #tpu.memory_space<hbm>> -> memref<1x40x128xi32, #tpu.memory_space<hbm>>
        %dma_start3A_48 = tpu.memref_squeeze %dma_start3A_47 : memref<1x40x128xi32, #tpu.memory_space<hbm>> -> memref<40x128xi32, #tpu.memory_space<hbm>>
        tpu.enqueue_dma source(%dma_start3A_48 : memref<40x128xi32, #tpu.memory_space<hbm>>) target(%arg7 : memref<40x128xi32, #tpu.memory_space<vmem>>) target_semaphore(%run_scoped3A_42 : memref<!tpu.dma_semaphore, #tpu.memory_space<semaphore_mem>>)
        %dma_wait3A = arith.constant 0 : i32
        %dma_wait3A_49 = tpu.memref_slice %arg3[%run_scoped3A_27, %add3A_26, %dma_wait3A] : memref<2x2560x128xi32, #tpu.memory_space<hbm>> -> memref<1x40x128xi32, #tpu.memory_space<hbm>>
        %dma_wait3A_50 = tpu.memref_squeeze %dma_wait3A_49 : memref<1x40x128xi32, #tpu.memory_space<hbm>> -> memref<40x128xi32, #tpu.memory_space<hbm>>
        %dma_wait3A_51 = arith.constant 0 : i32
        %dma_wait3A_52 = tpu.memref_slice %arg3[%run_scoped3A_27, %add3A_26, %dma_wait3A_51] : memref<2x2560x128xi32, #tpu.memory_space<hbm>> -> memref<1x40x128xi32, #tpu.memory_space<hbm>>
        %dma_wait3A_53 = tpu.memref_squeeze %dma_wait3A_52 : memref<1x40x128xi32, #tpu.memory_space<hbm>> -> memref<40x128xi32, #tpu.memory_space<hbm>>
        tpu.wait_dma2 semaphore(%run_scoped3A_42 : memref<!tpu.dma_semaphore, #tpu.memory_space<semaphore_mem>>) src(%dma_wait3A_53 : memref<40x128xi32, #tpu.memory_space<hbm>>) dst(%arg7 : memref<40x128xi32, #tpu.memory_space<vmem>>)
        tpu.yield
      }) : () -> ()
      %dma_start3A = arith.constant 0 : i32
      %dma_start3A_28 = arith.constant 0 : i32
      %dma_start3A_29 = arith.constant 0 : i32
      %dma_start3A_30 = tpu.memref_slice %arg8[%dma_start3A_28, %dma_start3A_29] : memref<128x128xf32, #tpu.memory_space<vmem>> -> memref<128x128xf32, #tpu.memory_space<vmem>>
      %dma_start3A_31 = arith.constant 0 : i32
      %dma_start3A_32 = tpu.memref_slice %arg6[%dma_start3A, %dma_start3A_31] : memref<40x128xi32, #tpu.memory_space<vmem>> -> memref<1x128xi32, #tpu.memory_space<vmem>>
      %dma_start3A_33 = tpu.memref_squeeze %dma_start3A_32 : memref<1x128xi32, #tpu.memory_space<vmem>> -> memref<128xi32, #tpu.memory_space<vmem>>
      %dma_start3A_34 = arith.constant 0 : i32
      %dma_start3A_35 = arith.constant 0 : i32
      %dma_start3A_36 = tpu.memref_slice %arg2[%dma_start3A_34, %dma_start3A_35] : memref<10000x128xf32, #tpu.memory_space<hbm>> -> memref<10000x128xf32, #tpu.memory_space<hbm>>
      tpu.enqueue_indirect_dma source(%dma_start3A_36 : memref<10000x128xf32, #tpu.memory_space<hbm>>) target(%dma_start3A_30 : memref<128x128xf32, #tpu.memory_space<vmem>>) offsets(%dma_start3A_33 : memref<128xi32, #tpu.memory_space<vmem>>) semaphore(%arg11 : memref<!tpu.dma_semaphore, #tpu.memory_space<semaphore_mem>>)
      %scan3A = arith.constant 0 : i32
      %scan3A_37 = arith.constant 0 : i32
      %scan3A_38 = arith.constant 20 : i32
      %scan3A_39 = arith.addi %scan3A_37, %scan3A_38 : i32
      %scan3A_40 = arith.constant 1 : i32
      scf.for %scan3A_42 = %scan3A_37 to %scan3A_39 step %scan3A_40  : i32 {
        %mul3A_43 = arith.constant 2 : i32
        %mul3A_44 = arith.muli %mul3A_43, %scan3A_42 : i32
        %add3A_45 = arith.constant 1 : i32
        %add3A_46 = arith.addi %mul3A_44, %add3A_45 : i32
        %dma_wait3A = arith.constant 0 : i32
        %dma_wait3A_47 = arith.constant 0 : i32
        %dma_wait3A_48 = tpu.memref_slice %arg6[%dma_wait3A, %dma_wait3A_47] : memref<40x128xi32, #tpu.memory_space<vmem>> -> memref<1x128xi32, #tpu.memory_space<vmem>>
        %dma_wait3A_49 = tpu.memref_squeeze %dma_wait3A_48 : memref<1x128xi32, #tpu.memory_space<vmem>> -> memref<128xi32, #tpu.memory_space<vmem>>
        %dma_wait3A_50 = arith.constant 0 : i32
        %dma_wait3A_51 = arith.constant 0 : i32
        %dma_wait3A_52 = tpu.memref_slice %arg2[%dma_wait3A_50, %dma_wait3A_51] : memref<10000x128xf32, #tpu.memory_space<hbm>> -> memref<10000x128xf32, #tpu.memory_space<hbm>>
        tpu.wait_indirect_dma semaphore(%arg11 : memref<!tpu.dma_semaphore, #tpu.memory_space<semaphore_mem>>) src(%dma_wait3A_52 : memref<10000x128xf32, #tpu.memory_space<hbm>>) dst(%arg8 : memref<128x128xf32, #tpu.memory_space<vmem>>)
        %dma_start3A_53 = arith.constant 0 : i32
        %dma_start3A_54 = arith.constant 0 : i32
        %dma_start3A_55 = tpu.memref_slice %arg9[%dma_start3A_53, %dma_start3A_54] : memref<128x128xf32, #tpu.memory_space<vmem>> -> memref<128x128xf32, #tpu.memory_space<vmem>>
        %dma_start3A_56 = arith.constant 0 : i32
        %dma_start3A_57 = tpu.memref_slice %arg6[%add3A_46, %dma_start3A_56] : memref<40x128xi32, #tpu.memory_space<vmem>> -> memref<1x128xi32, #tpu.memory_space<vmem>>
        %dma_start3A_58 = tpu.memref_squeeze %dma_start3A_57 : memref<1x128xi32, #tpu.memory_space<vmem>> -> memref<128xi32, #tpu.memory_space<vmem>>
        %dma_start3A_59 = arith.constant 0 : i32
        %dma_start3A_60 = arith.constant 0 : i32
        %dma_start3A_61 = tpu.memref_slice %arg2[%dma_start3A_59, %dma_start3A_60] : memref<10000x128xf32, #tpu.memory_space<hbm>> -> memref<10000x128xf32, #tpu.memory_space<hbm>>
        tpu.enqueue_indirect_dma source(%dma_start3A_61 : memref<10000x128xf32, #tpu.memory_space<hbm>>) target(%dma_start3A_55 : memref<128x128xf32, #tpu.memory_space<vmem>>) offsets(%dma_start3A_58 : memref<128xi32, #tpu.memory_space<vmem>>) semaphore(%arg12 : memref<!tpu.dma_semaphore, #tpu.memory_space<semaphore_mem>>)
        "tpu.region"() ({
          %run_scoped3A_73 = tpu.sem_alloc : memref<!tpu.dma_semaphore, #tpu.memory_space<semaphore_mem>>
          %dma_start3A_74 = arith.constant 0 : i32
          %dma_start3A_75 = tpu.memref_slice %arg7[%mul3A_44, %dma_start3A_74] : memref<40x128xi32, #tpu.memory_space<vmem>> -> memref<1x128xi32, #tpu.memory_space<vmem>>
          %dma_start3A_76 = tpu.memref_squeeze %dma_start3A_75 : memref<1x128xi32, #tpu.memory_space<vmem>> -> memref<128xi32, #tpu.memory_space<vmem>>
          %dma_start3A_77 = arith.constant 0 : i32
          %dma_start3A_78 = arith.constant 0 : i32
          %dma_start3A_79 = tpu.memref_slice %arg10[%dma_start3A_77, %dma_start3A_78] : memref<10112x128xf32, #tpu.memory_space<vmem_shared>> -> memref<10112x128xf32, #tpu.memory_space<vmem_shared>>
          tpu.enqueue_indirect_dma source(%arg8 : memref<128x128xf32, #tpu.memory_space<vmem>>) target(%dma_start3A_79 : memref<10112x128xf32, #tpu.memory_space<vmem_shared>>) offsets(%dma_start3A_76 : memref<128xi32, #tpu.memory_space<vmem>>) semaphore(%run_scoped3A_73 : memref<!tpu.dma_semaphore, #tpu.memory_space<semaphore_mem>>) {add = true}
          %dma_wait3A_80 = arith.constant 0 : i32
          %dma_wait3A_81 = tpu.memref_slice %arg7[%mul3A_44, %dma_wait3A_80] : memref<40x128xi32, #tpu.memory_space<vmem>> -> memref<1x128xi32, #tpu.memory_space<vmem>>
          %dma_wait3A_82 = tpu.memref_squeeze %dma_wait3A_81 : memref<1x128xi32, #tpu.memory_space<vmem>> -> memref<128xi32, #tpu.memory_space<vmem>>
          %dma_wait3A_83 = arith.constant 0 : i32
          %dma_wait3A_84 = arith.constant 0 : i32
          %dma_wait3A_85 = tpu.memref_slice %arg10[%dma_wait3A_83, %dma_wait3A_84] : memref<10112x128xf32, #tpu.memory_space<vmem_shared>> -> memref<10112x128xf32, #tpu.memory_space<vmem_shared>>
          tpu.wait_indirect_dma semaphore(%run_scoped3A_73 : memref<!tpu.dma_semaphore, #tpu.memory_space<semaphore_mem>>) src(%arg8 : memref<128x128xf32, #tpu.memory_space<vmem>>) dst(%dma_wait3A_85 : memref<10112x128xf32, #tpu.memory_space<vmem_shared>>)
          tpu.yield
        }) : () -> ()
        %dma_wait3A_62 = arith.constant 0 : i32
        %dma_wait3A_63 = arith.constant 0 : i32
        %dma_wait3A_64 = tpu.memref_slice %arg6[%dma_wait3A_62, %dma_wait3A_63] : memref<40x128xi32, #tpu.memory_space<vmem>> -> memref<1x128xi32, #tpu.memory_space<vmem>>
        %dma_wait3A_65 = tpu.memref_squeeze %dma_wait3A_64 : memref<1x128xi32, #tpu.memory_space<vmem>> -> memref<128xi32, #tpu.memory_space<vmem>>
        %dma_wait3A_66 = arith.constant 0 : i32
        %dma_wait3A_67 = arith.constant 0 : i32
        %dma_wait3A_68 = tpu.memref_slice %arg2[%dma_wait3A_66, %dma_wait3A_67] : memref<10000x128xf32, #tpu.memory_space<hbm>> -> memref<10000x128xf32, #tpu.memory_space<hbm>>
        tpu.wait_indirect_dma semaphore(%arg12 : memref<!tpu.dma_semaphore, #tpu.memory_space<semaphore_mem>>) src(%dma_wait3A_68 : memref<10000x128xf32, #tpu.memory_space<hbm>>) dst(%arg9 : memref<128x128xf32, #tpu.memory_space<vmem>>)
        %lt3A = arith.constant 19 : i32
        %lt3A_69 = arith.cmpi slt, %scan3A_42, %lt3A : i32
        %convert_element_type3A_70 = arith.extui %lt3A_69 : i1 to i32
        %cond3A_71 = arith.constant 0 : i32
        %cond3A_72 = arith.cmpi ne, %convert_element_type3A_70, %cond3A_71 : i32
        scf.if %cond3A_72 {
          %add3A_73 = arith.constant 2 : i32
          %add3A_74 = arith.addi %mul3A_44, %add3A_73 : i32
          %dma_start3A_75 = arith.constant 0 : i32
          %dma_start3A_76 = arith.constant 0 : i32
          %dma_start3A_77 = tpu.memref_slice %arg8[%dma_start3A_75, %dma_start3A_76] : memref<128x128xf32, #tpu.memory_space<vmem>> -> memref<128x128xf32, #tpu.memory_space<vmem>>
          %dma_start3A_78 = arith.constant 0 : i32
          %dma_start3A_79 = tpu.memref_slice %arg6[%add3A_74, %dma_start3A_78] : memref<40x128xi32, #tpu.memory_space<vmem>> -> memref<1x128xi32, #tpu.memory_space<vmem>>
          %dma_start3A_80 = tpu.memref_squeeze %dma_start3A_79 : memref<1x128xi32, #tpu.memory_space<vmem>> -> memref<128xi32, #tpu.memory_space<vmem>>
          %dma_start3A_81 = arith.constant 0 : i32
          %dma_start3A_82 = arith.constant 0 : i32
          %dma_start3A_83 = tpu.memref_slice %arg2[%dma_start3A_81, %dma_start3A_82] : memref<10000x128xf32, #tpu.memory_space<hbm>> -> memref<10000x128xf32, #tpu.memory_space<hbm>>
          tpu.enqueue_indirect_dma source(%dma_start3A_83 : memref<10000x128xf32, #tpu.memory_space<hbm>>) target(%dma_start3A_77 : memref<128x128xf32, #tpu.memory_space<vmem>>) offsets(%dma_start3A_80 : memref<128xi32, #tpu.memory_space<vmem>>) semaphore(%arg11 : memref<!tpu.dma_semaphore, #tpu.memory_space<semaphore_mem>>)
        } else {
        }
        "tpu.region"() ({
          %run_scoped3A_73 = tpu.sem_alloc : memref<!tpu.dma_semaphore, #tpu.memory_space<semaphore_mem>>
          %dma_start3A_74 = arith.constant 0 : i32
          %dma_start3A_75 = tpu.memref_slice %arg7[%add3A_46, %dma_start3A_74] : memref<40x128xi32, #tpu.memory_space<vmem>> -> memref<1x128xi32, #tpu.memory_space<vmem>>
          %dma_start3A_76 = tpu.memref_squeeze %dma_start3A_75 : memref<1x128xi32, #tpu.memory_space<vmem>> -> memref<128xi32, #tpu.memory_space<vmem>>
          %dma_start3A_77 = arith.constant 0 : i32
          %dma_start3A_78 = arith.constant 0 : i32
          %dma_start3A_79 = tpu.memref_slice %arg10[%dma_start3A_77, %dma_start3A_78] : memref<10112x128xf32, #tpu.memory_space<vmem_shared>> -> memref<10112x128xf32, #tpu.memory_space<vmem_shared>>
          tpu.enqueue_indirect_dma source(%arg9 : memref<128x128xf32, #tpu.memory_space<vmem>>) target(%dma_start3A_79 : memref<10112x128xf32, #tpu.memory_space<vmem_shared>>) offsets(%dma_start3A_76 : memref<128xi32, #tpu.memory_space<vmem>>) semaphore(%run_scoped3A_73 : memref<!tpu.dma_semaphore, #tpu.memory_space<semaphore_mem>>) {add = true}
          %dma_wait3A_80 = arith.constant 0 : i32
          %dma_wait3A_81 = tpu.memref_slice %arg7[%add3A_46, %dma_wait3A_80] : memref<40x128xi32, #tpu.memory_space<vmem>> -> memref<1x128xi32, #tpu.memory_space<vmem>>
          %dma_wait3A_82 = tpu.memref_squeeze %dma_wait3A_81 : memref<1x128xi32, #tpu.memory_space<vmem>> -> memref<128xi32, #tpu.memory_space<vmem>>
          %dma_wait3A_83 = arith.constant 0 : i32
          %dma_wait3A_84 = arith.constant 0 : i32
          %dma_wait3A_85 = tpu.memref_slice %arg10[%dma_wait3A_83, %dma_wait3A_84] : memref<10112x128xf32, #tpu.memory_space<vmem_shared>> -> memref<10112x128xf32, #tpu.memory_space<vmem_shared>>
          tpu.wait_indirect_dma semaphore(%run_scoped3A_73 : memref<!tpu.dma_semaphore, #tpu.memory_space<semaphore_mem>>) src(%arg9 : memref<128x128xf32, #tpu.memory_space<vmem>>) dst(%dma_wait3A_85 : memref<10112x128xf32, #tpu.memory_space<vmem_shared>>)
          tpu.yield
        }) : () -> ()
      }
      %scan3A_41 = arith.constant 20 : i32
    } else {
    }
    %gt3A_13 = arith.constant 40 : i32
    %gt3A_14 = arith.cmpi sgt, %select_n3A_8, %gt3A_13 : i32
    %convert_element_type3A_15 = arith.extui %gt3A_14 : i1 to i32
    %cond3A_16 = arith.constant 0 : i32
    %cond3A_17 = arith.cmpi ne, %convert_element_type3A_15, %cond3A_16 : i32
    scf.if %cond3A_17 {
      %add3A_23 = arith.constant 40 : i32
      %add3A_24 = arith.addi %select_n3A, %add3A_23 : i32
      %run_scoped3A = arith.constant 0 : i32
      "tpu.region"() ({
        %run_scoped3A_42 = tpu.sem_alloc : memref<!tpu.dma_semaphore, #tpu.memory_space<semaphore_mem>>
        %dma_start3A_43 = arith.constant 0 : i32
        %dma_start3A_44 = tpu.memref_slice %arg3[%run_scoped3A, %add3A_24, %dma_start3A_43] : memref<2x2560x128xi32, #tpu.memory_space<hbm>> -> memref<1x40x128xi32, #tpu.memory_space<hbm>>
        %dma_start3A_45 = tpu.memref_squeeze %dma_start3A_44 : memref<1x40x128xi32, #tpu.memory_space<hbm>> -> memref<40x128xi32, #tpu.memory_space<hbm>>
        %dma_start3A_46 = arith.constant 0 : i32
        %dma_start3A_47 = tpu.memref_slice %arg3[%run_scoped3A, %add3A_24, %dma_start3A_46] : memref<2x2560x128xi32, #tpu.memory_space<hbm>> -> memref<1x40x128xi32, #tpu.memory_space<hbm>>
        %dma_start3A_48 = tpu.memref_squeeze %dma_start3A_47 : memref<1x40x128xi32, #tpu.memory_space<hbm>> -> memref<40x128xi32, #tpu.memory_space<hbm>>
        tpu.enqueue_dma source(%dma_start3A_48 : memref<40x128xi32, #tpu.memory_space<hbm>>) target(%arg6 : memref<40x128xi32, #tpu.memory_space<vmem>>) target_semaphore(%run_scoped3A_42 : memref<!tpu.dma_semaphore, #tpu.memory_space<semaphore_mem>>)
        %dma_wait3A = arith.constant 0 : i32
        %dma_wait3A_49 = tpu.memref_slice %arg3[%run_scoped3A, %add3A_24, %dma_wait3A] : memref<2x2560x128xi32, #tpu.memory_space<hbm>> -> memref<1x40x128xi32, #tpu.memory_space<hbm>>
        %dma_wait3A_50 = tpu.memref_squeeze %dma_wait3A_49 : memref<1x40x128xi32, #tpu.memory_space<hbm>> -> memref<40x128xi32, #tpu.memory_space<hbm>>
        %dma_wait3A_51 = arith.constant 0 : i32
        %dma_wait3A_52 = tpu.memref_slice %arg3[%run_scoped3A, %add3A_24, %dma_wait3A_51] : memref<2x2560x128xi32, #tpu.memory_space<hbm>> -> memref<1x40x128xi32, #tpu.memory_space<hbm>>
        %dma_wait3A_53 = tpu.memref_squeeze %dma_wait3A_52 : memref<1x40x128xi32, #tpu.memory_space<hbm>> -> memref<40x128xi32, #tpu.memory_space<hbm>>
        tpu.wait_dma2 semaphore(%run_scoped3A_42 : memref<!tpu.dma_semaphore, #tpu.memory_space<semaphore_mem>>) src(%dma_wait3A_53 : memref<40x128xi32, #tpu.memory_space<hbm>>) dst(%arg6 : memref<40x128xi32, #tpu.memory_space<vmem>>)
        tpu.yield
      }) : () -> ()
      %add3A_25 = arith.constant 40 : i32
      %add3A_26 = arith.addi %select_n3A, %add3A_25 : i32
      %run_scoped3A_27 = arith.constant 1 : i32
      "tpu.region"() ({
        %run_scoped3A_42 = tpu.sem_alloc : memref<!tpu.dma_semaphore, #tpu.memory_space<semaphore_mem>>
        %dma_start3A_43 = arith.constant 0 : i32
        %dma_start3A_44 = tpu.memref_slice %arg3[%run_scoped3A_27, %add3A_26, %dma_start3A_43] : memref<2x2560x128xi32, #tpu.memory_space<hbm>> -> memref<1x40x128xi32, #tpu.memory_space<hbm>>
        %dma_start3A_45 = tpu.memref_squeeze %dma_start3A_44 : memref<1x40x128xi32, #tpu.memory_space<hbm>> -> memref<40x128xi32, #tpu.memory_space<hbm>>
        %dma_start3A_46 = arith.constant 0 : i32
        %dma_start3A_47 = tpu.memref_slice %arg3[%run_scoped3A_27, %add3A_26, %dma_start3A_46] : memref<2x2560x128xi32, #tpu.memory_space<hbm>> -> memref<1x40x128xi32, #tpu.memory_space<hbm>>
        %dma_start3A_48 = tpu.memref_squeeze %dma_start3A_47 : memref<1x40x128xi32, #tpu.memory_space<hbm>> -> memref<40x128xi32, #tpu.memory_space<hbm>>
        tpu.enqueue_dma source(%dma_start3A_48 : memref<40x128xi32, #tpu.memory_space<hbm>>) target(%arg7 : memref<40x128xi32, #tpu.memory_space<vmem>>) target_semaphore(%run_scoped3A_42 : memref<!tpu.dma_semaphore, #tpu.memory_space<semaphore_mem>>)
        %dma_wait3A = arith.constant 0 : i32
        %dma_wait3A_49 = tpu.memref_slice %arg3[%run_scoped3A_27, %add3A_26, %dma_wait3A] : memref<2x2560x128xi32, #tpu.memory_space<hbm>> -> memref<1x40x128xi32, #tpu.memory_space<hbm>>
        %dma_wait3A_50 = tpu.memref_squeeze %dma_wait3A_49 : memref<1x40x128xi32, #tpu.memory_space<hbm>> -> memref<40x128xi32, #tpu.memory_space<hbm>>
        %dma_wait3A_51 = arith.constant 0 : i32
        %dma_wait3A_52 = tpu.memref_slice %arg3[%run_scoped3A_27, %add3A_26, %dma_wait3A_51] : memref<2x2560x128xi32, #tpu.memory_space<hbm>> -> memref<1x40x128xi32, #tpu.memory_space<hbm>>
        %dma_wait3A_53 = tpu.memref_squeeze %dma_wait3A_52 : memref<1x40x128xi32, #tpu.memory_space<hbm>> -> memref<40x128xi32, #tpu.memory_space<hbm>>
        tpu.wait_dma2 semaphore(%run_scoped3A_42 : memref<!tpu.dma_semaphore, #tpu.memory_space<semaphore_mem>>) src(%dma_wait3A_53 : memref<40x128xi32, #tpu.memory_space<hbm>>) dst(%arg7 : memref<40x128xi32, #tpu.memory_space<vmem>>)
        tpu.yield
      }) : () -> ()
      %dma_start3A = arith.constant 0 : i32
      %dma_start3A_28 = arith.constant 0 : i32
      %dma_start3A_29 = arith.constant 0 : i32
      %dma_start3A_30 = tpu.memref_slice %arg8[%dma_start3A_28, %dma_start3A_29] : memref<128x128xf32, #tpu.memory_space<vmem>> -> memref<128x128xf32, #tpu.memory_space<vmem>>
      %dma_start3A_31 = arith.constant 0 : i32
      %dma_start3A_32 = tpu.memref_slice %arg6[%dma_start3A, %dma_start3A_31] : memref<40x128xi32, #tpu.memory_space<vmem>> -> memref<1x128xi32, #tpu.memory_space<vmem>>
      %dma_start3A_33 = tpu.memref_squeeze %dma_start3A_32 : memref<1x128xi32, #tpu.memory_space<vmem>> -> memref<128xi32, #tpu.memory_space<vmem>>
      %dma_start3A_34 = arith.constant 0 : i32
      %dma_start3A_35 = arith.constant 0 : i32
      %dma_start3A_36 = tpu.memref_slice %arg2[%dma_start3A_34, %dma_start3A_35] : memref<10000x128xf32, #tpu.memory_space<hbm>> -> memref<10000x128xf32, #tpu.memory_space<hbm>>
      tpu.enqueue_indirect_dma source(%dma_start3A_36 : memref<10000x128xf32, #tpu.memory_space<hbm>>) target(%dma_start3A_30 : memref<128x128xf32, #tpu.memory_space<vmem>>) offsets(%dma_start3A_33 : memref<128xi32, #tpu.memory_space<vmem>>) semaphore(%arg11 : memref<!tpu.dma_semaphore, #tpu.memory_space<semaphore_mem>>)
      %scan3A = arith.constant 0 : i32
      %scan3A_37 = arith.constant 0 : i32
      %scan3A_38 = arith.constant 20 : i32
      %scan3A_39 = arith.addi %scan3A_37, %scan3A_38 : i32
      %scan3A_40 = arith.constant 1 : i32
      scf.for %scan3A_42 = %scan3A_37 to %scan3A_39 step %scan3A_40  : i32 {
        %mul3A_43 = arith.constant 2 : i32
        %mul3A_44 = arith.muli %mul3A_43, %scan3A_42 : i32
        %add3A_45 = arith.constant 1 : i32
        %add3A_46 = arith.addi %mul3A_44, %add3A_45 : i32
        %dma_wait3A = arith.constant 0 : i32
        %dma_wait3A_47 = arith.constant 0 : i32
        %dma_wait3A_48 = tpu.memref_slice %arg6[%dma_wait3A, %dma_wait3A_47] : memref<40x128xi32, #tpu.memory_space<vmem>> -> memref<1x128xi32, #tpu.memory_space<vmem>>
        %dma_wait3A_49 = tpu.memref_squeeze %dma_wait3A_48 : memref<1x128xi32, #tpu.memory_space<vmem>> -> memref<128xi32, #tpu.memory_space<vmem>>
        %dma_wait3A_50 = arith.constant 0 : i32
        %dma_wait3A_51 = arith.constant 0 : i32
        %dma_wait3A_52 = tpu.memref_slice %arg2[%dma_wait3A_50, %dma_wait3A_51] : memref<10000x128xf32, #tpu.memory_space<hbm>> -> memref<10000x128xf32, #tpu.memory_space<hbm>>
        tpu.wait_indirect_dma semaphore(%arg11 : memref<!tpu.dma_semaphore, #tpu.memory_space<semaphore_mem>>) src(%dma_wait3A_52 : memref<10000x128xf32, #tpu.memory_space<hbm>>) dst(%arg8 : memref<128x128xf32, #tpu.memory_space<vmem>>)
        %dma_start3A_53 = arith.constant 0 : i32
        %dma_start3A_54 = arith.constant 0 : i32
        %dma_start3A_55 = tpu.memref_slice %arg9[%dma_start3A_53, %dma_start3A_54] : memref<128x128xf32, #tpu.memory_space<vmem>> -> memref<128x128xf32, #tpu.memory_space<vmem>>
        %dma_start3A_56 = arith.constant 0 : i32
        %dma_start3A_57 = tpu.memref_slice %arg6[%add3A_46, %dma_start3A_56] : memref<40x128xi32, #tpu.memory_space<vmem>> -> memref<1x128xi32, #tpu.memory_space<vmem>>
        %dma_start3A_58 = tpu.memref_squeeze %dma_start3A_57 : memref<1x128xi32, #tpu.memory_space<vmem>> -> memref<128xi32, #tpu.memory_space<vmem>>
        %dma_start3A_59 = arith.constant 0 : i32
        %dma_start3A_60 = arith.constant 0 : i32
        %dma_start3A_61 = tpu.memref_slice %arg2[%dma_start3A_59, %dma_start3A_60] : memref<10000x128xf32, #tpu.memory_space<hbm>> -> memref<10000x128xf32, #tpu.memory_space<hbm>>
        tpu.enqueue_indirect_dma source(%dma_start3A_61 : memref<10000x128xf32, #tpu.memory_space<hbm>>) target(%dma_start3A_55 : memref<128x128xf32, #tpu.memory_space<vmem>>) offsets(%dma_start3A_58 : memref<128xi32, #tpu.memory_space<vmem>>) semaphore(%arg12 : memref<!tpu.dma_semaphore, #tpu.memory_space<semaphore_mem>>)
        "tpu.region"() ({
          %run_scoped3A_73 = tpu.sem_alloc : memref<!tpu.dma_semaphore, #tpu.memory_space<semaphore_mem>>
          %dma_start3A_74 = arith.constant 0 : i32
          %dma_start3A_75 = tpu.memref_slice %arg7[%mul3A_44, %dma_start3A_74] : memref<40x128xi32, #tpu.memory_space<vmem>> -> memref<1x128xi32, #tpu.memory_space<vmem>>
          %dma_start3A_76 = tpu.memref_squeeze %dma_start3A_75 : memref<1x128xi32, #tpu.memory_space<vmem>> -> memref<128xi32, #tpu.memory_space<vmem>>
          %dma_start3A_77 = arith.constant 0 : i32
          %dma_start3A_78 = arith.constant 0 : i32
          %dma_start3A_79 = tpu.memref_slice %arg10[%dma_start3A_77, %dma_start3A_78] : memref<10112x128xf32, #tpu.memory_space<vmem_shared>> -> memref<10112x128xf32, #tpu.memory_space<vmem_shared>>
          tpu.enqueue_indirect_dma source(%arg8 : memref<128x128xf32, #tpu.memory_space<vmem>>) target(%dma_start3A_79 : memref<10112x128xf32, #tpu.memory_space<vmem_shared>>) offsets(%dma_start3A_76 : memref<128xi32, #tpu.memory_space<vmem>>) semaphore(%run_scoped3A_73 : memref<!tpu.dma_semaphore, #tpu.memory_space<semaphore_mem>>) {add = true}
          %dma_wait3A_80 = arith.constant 0 : i32
          %dma_wait3A_81 = tpu.memref_slice %arg7[%mul3A_44, %dma_wait3A_80] : memref<40x128xi32, #tpu.memory_space<vmem>> -> memref<1x128xi32, #tpu.memory_space<vmem>>
          %dma_wait3A_82 = tpu.memref_squeeze %dma_wait3A_81 : memref<1x128xi32, #tpu.memory_space<vmem>> -> memref<128xi32, #tpu.memory_space<vmem>>
          %dma_wait3A_83 = arith.constant 0 : i32
          %dma_wait3A_84 = arith.constant 0 : i32
          %dma_wait3A_85 = tpu.memref_slice %arg10[%dma_wait3A_83, %dma_wait3A_84] : memref<10112x128xf32, #tpu.memory_space<vmem_shared>> -> memref<10112x128xf32, #tpu.memory_space<vmem_shared>>
          tpu.wait_indirect_dma semaphore(%run_scoped3A_73 : memref<!tpu.dma_semaphore, #tpu.memory_space<semaphore_mem>>) src(%arg8 : memref<128x128xf32, #tpu.memory_space<vmem>>) dst(%dma_wait3A_85 : memref<10112x128xf32, #tpu.memory_space<vmem_shared>>)
          tpu.yield
        }) : () -> ()
        %dma_wait3A_62 = arith.constant 0 : i32
        %dma_wait3A_63 = arith.constant 0 : i32
        %dma_wait3A_64 = tpu.memref_slice %arg6[%dma_wait3A_62, %dma_wait3A_63] : memref<40x128xi32, #tpu.memory_space<vmem>> -> memref<1x128xi32, #tpu.memory_space<vmem>>
        %dma_wait3A_65 = tpu.memref_squeeze %dma_wait3A_64 : memref<1x128xi32, #tpu.memory_space<vmem>> -> memref<128xi32, #tpu.memory_space<vmem>>
        %dma_wait3A_66 = arith.constant 0 : i32
        %dma_wait3A_67 = arith.constant 0 : i32
        %dma_wait3A_68 = tpu.memref_slice %arg2[%dma_wait3A_66, %dma_wait3A_67] : memref<10000x128xf32, #tpu.memory_space<hbm>> -> memref<10000x128xf32, #tpu.memory_space<hbm>>
        tpu.wait_indirect_dma semaphore(%arg12 : memref<!tpu.dma_semaphore, #tpu.memory_space<semaphore_mem>>) src(%dma_wait3A_68 : memref<10000x128xf32, #tpu.memory_space<hbm>>) dst(%arg9 : memref<128x128xf32, #tpu.memory_space<vmem>>)
        %lt3A = arith.constant 19 : i32
        %lt3A_69 = arith.cmpi slt, %scan3A_42, %lt3A : i32
        %convert_element_type3A_70 = arith.extui %lt3A_69 : i1 to i32
        %cond3A_71 = arith.constant 0 : i32
        %cond3A_72 = arith.cmpi ne, %convert_element_type3A_70, %cond3A_71 : i32
        scf.if %cond3A_72 {
          %add3A_73 = arith.constant 2 : i32
          %add3A_74 = arith.addi %mul3A_44, %add3A_73 : i32
          %dma_start3A_75 = arith.constant 0 : i32
          %dma_start3A_76 = arith.constant 0 : i32
          %dma_start3A_77 = tpu.memref_slice %arg8[%dma_start3A_75, %dma_start3A_76] : memref<128x128xf32, #tpu.memory_space<vmem>> -> memref<128x128xf32, #tpu.memory_space<vmem>>
          %dma_start3A_78 = arith.constant 0 : i32
          %dma_start3A_79 = tpu.memref_slice %arg6[%add3A_74, %dma_start3A_78] : memref<40x128xi32, #tpu.memory_space<vmem>> -> memref<1x128xi32, #tpu.memory_space<vmem>>
          %dma_start3A_80 = tpu.memref_squeeze %dma_start3A_79 : memref<1x128xi32, #tpu.memory_space<vmem>> -> memref<128xi32, #tpu.memory_space<vmem>>
          %dma_start3A_81 = arith.constant 0 : i32
          %dma_start3A_82 = arith.constant 0 : i32
          %dma_start3A_83 = tpu.memref_slice %arg2[%dma_start3A_81, %dma_start3A_82] : memref<10000x128xf32, #tpu.memory_space<hbm>> -> memref<10000x128xf32, #tpu.memory_space<hbm>>
          tpu.enqueue_indirect_dma source(%dma_start3A_83 : memref<10000x128xf32, #tpu.memory_space<hbm>>) target(%dma_start3A_77 : memref<128x128xf32, #tpu.memory_space<vmem>>) offsets(%dma_start3A_80 : memref<128xi32, #tpu.memory_space<vmem>>) semaphore(%arg11 : memref<!tpu.dma_semaphore, #tpu.memory_space<semaphore_mem>>)
        } else {
        }
        "tpu.region"() ({
          %run_scoped3A_73 = tpu.sem_alloc : memref<!tpu.dma_semaphore, #tpu.memory_space<semaphore_mem>>
          %dma_start3A_74 = arith.constant 0 : i32
          %dma_start3A_75 = tpu.memref_slice %arg7[%add3A_46, %dma_start3A_74] : memref<40x128xi32, #tpu.memory_space<vmem>> -> memref<1x128xi32, #tpu.memory_space<vmem>>
          %dma_start3A_76 = tpu.memref_squeeze %dma_start3A_75 : memref<1x128xi32, #tpu.memory_space<vmem>> -> memref<128xi32, #tpu.memory_space<vmem>>
          %dma_start3A_77 = arith.constant 0 : i32
          %dma_start3A_78 = arith.constant 0 : i32
          %dma_start3A_79 = tpu.memref_slice %arg10[%dma_start3A_77, %dma_start3A_78] : memref<10112x128xf32, #tpu.memory_space<vmem_shared>> -> memref<10112x128xf32, #tpu.memory_space<vmem_shared>>
          tpu.enqueue_indirect_dma source(%arg9 : memref<128x128xf32, #tpu.memory_space<vmem>>) target(%dma_start3A_79 : memref<10112x128xf32, #tpu.memory_space<vmem_shared>>) offsets(%dma_start3A_76 : memref<128xi32, #tpu.memory_space<vmem>>) semaphore(%run_scoped3A_73 : memref<!tpu.dma_semaphore, #tpu.memory_space<semaphore_mem>>) {add = true}
          %dma_wait3A_80 = arith.constant 0 : i32
          %dma_wait3A_81 = tpu.memref_slice %arg7[%add3A_46, %dma_wait3A_80] : memref<40x128xi32, #tpu.memory_space<vmem>> -> memref<1x128xi32, #tpu.memory_space<vmem>>
          %dma_wait3A_82 = tpu.memref_squeeze %dma_wait3A_81 : memref<1x128xi32, #tpu.memory_space<vmem>> -> memref<128xi32, #tpu.memory_space<vmem>>
          %dma_wait3A_83 = arith.constant 0 : i32
          %dma_wait3A_84 = arith.constant 0 : i32
          %dma_wait3A_85 = tpu.memref_slice %arg10[%dma_wait3A_83, %dma_wait3A_84] : memref<10112x128xf32, #tpu.memory_space<vmem_shared>> -> memref<10112x128xf32, #tpu.memory_space<vmem_shared>>
          tpu.wait_indirect_dma semaphore(%run_scoped3A_73 : memref<!tpu.dma_semaphore, #tpu.memory_space<semaphore_mem>>) src(%arg9 : memref<128x128xf32, #tpu.memory_space<vmem>>) dst(%dma_wait3A_85 : memref<10112x128xf32, #tpu.memory_space<vmem_shared>>)
          tpu.yield
        }) : () -> ()
      }
      %scan3A_41 = arith.constant 20 : i32
    } else {
    }
    %barrier3A_18 = arith.constant 0 : index
    tpu.barrier barrier_id(%barrier3A_18)
    %mul3A_19 = arith.constant 632 : i32
    %mul3A_20 = arith.muli %arg1, %mul3A_19 : i32
    %mul3A_21 = arith.constant 632 : i32
    %mul3A_22 = arith.muli %arg1, %mul3A_21 : i32
    "tpu.region"() ({
      %run_scoped3A = tpu.sem_alloc : memref<!tpu.dma_semaphore, #tpu.memory_space<semaphore_mem>>
      %dma_start3A = arith.constant 0 : i32
      %dma_start3A_23 = tpu.memref_slice %arg5[%arg0, %mul3A_22, %dma_start3A] : memref<2x10112x128xf32, #tpu.memory_space<hbm>> -> memref<1x632x128xf32, #tpu.memory_space<hbm>>
      %dma_start3A_24 = tpu.memref_squeeze %dma_start3A_23 : memref<1x632x128xf32, #tpu.memory_space<hbm>> -> memref<632x128xf32, #tpu.memory_space<hbm>>
      %dma_start3A_25 = arith.constant 0 : i32
      %dma_start3A_26 = tpu.memref_slice %arg10[%mul3A_20, %dma_start3A_25] : memref<10112x128xf32, #tpu.memory_space<vmem_shared>> -> memref<632x128xf32, #tpu.memory_space<vmem_shared>>
      tpu.enqueue_dma source(%dma_start3A_26 : memref<632x128xf32, #tpu.memory_space<vmem_shared>>) target(%dma_start3A_24 : memref<632x128xf32, #tpu.memory_space<hbm>>) target_semaphore(%run_scoped3A : memref<!tpu.dma_semaphore, #tpu.memory_space<semaphore_mem>>)
      %dma_wait3A = arith.constant 0 : i32
      %dma_wait3A_27 = tpu.memref_slice %arg5[%arg0, %mul3A_22, %dma_wait3A] : memref<2x10112x128xf32, #tpu.memory_space<hbm>> -> memref<1x632x128xf32, #tpu.memory_space<hbm>>
      %dma_wait3A_28 = tpu.memref_squeeze %dma_wait3A_27 : memref<1x632x128xf32, #tpu.memory_space<hbm>> -> memref<632x128xf32, #tpu.memory_space<hbm>>
      %dma_wait3A_29 = arith.constant 0 : i32
      %dma_wait3A_30 = tpu.memref_slice %arg10[%mul3A_20, %dma_wait3A_29] : memref<10112x128xf32, #tpu.memory_space<vmem_shared>> -> memref<632x128xf32, #tpu.memory_space<vmem_shared>>
      tpu.wait_dma2 semaphore(%run_scoped3A : memref<!tpu.dma_semaphore, #tpu.memory_space<semaphore_mem>>) src(%dma_wait3A_30 : memref<632x128xf32, #tpu.memory_space<vmem_shared>>) dst(%dma_wait3A_28 : memref<632x128xf32, #tpu.memory_space<hbm>>)
      tpu.yield
    }) : () -> ()
    return
  }
}

module attributes {stable_mosaic.version = 14 : i64} {
  func.func @_tc_body(%arg0: i32, %arg1: memref<2000x128xf32, #tpu.memory_space<vmem>>, %arg2: memref<1x2000x128xf32, #tpu.memory_space<vmem>>, %arg3: memref<1x2000x128xf32, #tpu.memory_space<vmem>>, %arg4: memref<2000x128xf32, #tpu.memory_space<vmem>>, %arg5: memref<1x128xf32, #tpu.memory_space<vmem>>, %arg6: memref<128x128xf32, #tpu.memory_space<vmem>>, %arg7: memref<128x128xf32, #tpu.memory_space<vmem>>, %arg8: memref<1x128xf32, #tpu.memory_space<vmem>>, %arg9: memref<1x128xf32, #tpu.memory_space<vmem>>, %arg10: memref<1x128xf32, #tpu.memory_space<vmem>>, %arg11: memref<2000x128xf32, #tpu.memory_space<vmem>>) attributes {dimension_semantics = [#tpu.dimension_semantics<arbitrary>], iteration_bounds = array<i64: 5>, scalar_prefetch = 0 : i64, scratch_operands = 0 : i64, tpu.core_type = #tpu.core_type<tc>, window_params = [{transform_indices = @transform_0, window_bounds = array<i64: 2000, 128>}, {transform_indices = @transform_1, window_bounds = array<i64: 1, 2000, 128>}, {transform_indices = @transform_2, window_bounds = array<i64: 1, 2000, 128>}, {transform_indices = @transform_3, window_bounds = array<i64: 2000, 128>}, {pipeline_mode = #tpu.pipeline_mode<synchronous>, transform_indices = @transform_4, window_bounds = array<i64: 1, 128>}, {pipeline_mode = #tpu.pipeline_mode<synchronous>, transform_indices = @transform_5, window_bounds = array<i64: 128, 128>}, {pipeline_mode = #tpu.pipeline_mode<synchronous>, transform_indices = @transform_6, window_bounds = array<i64: 128, 128>}, {pipeline_mode = #tpu.pipeline_mode<synchronous>, transform_indices = @transform_7, window_bounds = array<i64: 1, 128>}, {pipeline_mode = #tpu.pipeline_mode<synchronous>, transform_indices = @transform_8, window_bounds = array<i64: 1, 128>}, {pipeline_mode = #tpu.pipeline_mode<synchronous>, transform_indices = @transform_9, window_bounds = array<i64: 1, 128>}, {transform_indices = @transform_10, window_bounds = array<i64: 2000, 128>}]} {
    %get3A = arith.constant 0 : index
    %get3A_0 = arith.constant 0 : index
    %get3A_1 = arith.constant 0 : index
    %get3A_2 = vector.load %arg2[%get3A, %get3A_0, %get3A_1] : memref<1x2000x128xf32, #tpu.memory_space<vmem>>, vector<1x2000x128xf32>
    %get3A_3 = vector.shape_cast %get3A_2 : vector<1x2000x128xf32> to vector<2000x128xf32>
    %get3A_4 = arith.constant 0 : index
    %get3A_5 = arith.constant 0 : index
    %get3A_6 = arith.constant 0 : index
    %get3A_7 = vector.load %arg3[%get3A_4, %get3A_5, %get3A_6] : memref<1x2000x128xf32, #tpu.memory_space<vmem>>, vector<1x2000x128xf32>
    %get3A_8 = vector.shape_cast %get3A_7 : vector<1x2000x128xf32> to vector<2000x128xf32>
    %add3A = arith.addf %get3A_3, %get3A_8 : vector<2000x128xf32>
    %get3A_9 = arith.constant 0 : index
    %get3A_10 = arith.constant 0 : index
    %get3A_11 = vector.load %arg5[%get3A_9, %get3A_10] : memref<1x128xf32, #tpu.memory_space<vmem>>, vector<1x128xf32>
    %mul3A = vector.broadcast %get3A_11 : vector<1x128xf32> to vector<2000x128xf32>
    %mul3A_12 = arith.mulf %add3A, %mul3A : vector<2000x128xf32>
    %get3A_13 = arith.constant 0 : index
    %get3A_14 = arith.constant 0 : index
    %get3A_15 = vector.load %arg4[%get3A_13, %get3A_14] : memref<2000x128xf32, #tpu.memory_space<vmem>>, vector<2000x128xf32>
    %add3A_16 = arith.addf %mul3A_12, %get3A_15 : vector<2000x128xf32>
    %get3A_17 = arith.constant 0 : index
    %get3A_18 = arith.constant 0 : index
    %get3A_19 = vector.load %arg1[%get3A_17, %get3A_18] : memref<2000x128xf32, #tpu.memory_space<vmem>>, vector<2000x128xf32>
    %get3A_20 = arith.constant 0 : index
    %get3A_21 = arith.constant 0 : index
    %get3A_22 = vector.load %arg6[%get3A_20, %get3A_21] : memref<128x128xf32, #tpu.memory_space<vmem>>, vector<128x128xf32>
    %dot_general3A = arith.constant dense<0.000000e+00> : vector<2000x128xf32>
    %dot_general3A_23 = tpu.matmul %get3A_19, %get3A_22, %dot_general3A {dimension_numbers = #tpu.dot_dimension_numbers<[1], [0], [0], [1], [0, 0, 1, 1], [], []>, transpose_lhs_hint = false} : vector<2000x128xf32>, vector<128x128xf32>, vector<2000x128xf32> -> vector<2000x128xf32>
    %get3A_24 = arith.constant 0 : index
    %get3A_25 = arith.constant 0 : index
    %get3A_26 = vector.load %arg7[%get3A_24, %get3A_25] : memref<128x128xf32, #tpu.memory_space<vmem>>, vector<128x128xf32>
    %dot_general3A_27 = arith.constant dense<0.000000e+00> : vector<2000x128xf32>
    %dot_general3A_28 = tpu.matmul %add3A_16, %get3A_26, %dot_general3A_27 {dimension_numbers = #tpu.dot_dimension_numbers<[1], [0], [0], [1], [0, 0, 1, 1], [], []>, transpose_lhs_hint = false} : vector<2000x128xf32>, vector<128x128xf32>, vector<2000x128xf32> -> vector<2000x128xf32>
    %add3A_29 = arith.addf %dot_general3A_23, %dot_general3A_28 : vector<2000x128xf32>
    %get3A_30 = arith.constant 0 : index
    %get3A_31 = arith.constant 0 : index
    %get3A_32 = vector.load %arg8[%get3A_30, %get3A_31] : memref<1x128xf32, #tpu.memory_space<vmem>>, vector<1x128xf32>
    %add3A_33 = vector.broadcast %get3A_32 : vector<1x128xf32> to vector<2000x128xf32>
    %add3A_34 = arith.addf %add3A_29, %add3A_33 : vector<2000x128xf32>
    %reduce_sum3A = arith.constant dense<0.000000e+00> : vector<2000xf32>
    %reduce_sum3A_35 = vector.multi_reduction <add>, %add3A_34, %reduce_sum3A [1] : vector<2000x128xf32> to vector<2000xf32>
    %broadcast_in_dim3A = vector.shape_cast %reduce_sum3A_35 : vector<2000xf32> to vector<2000x1xf32>
    %div3A = arith.constant 1.280000e+02 : f32
    %div3A_36 = vector.broadcast %div3A : f32 to vector<2000x1xf32>
    %div3A_37 = arith.divf %broadcast_in_dim3A, %div3A_36 : vector<2000x1xf32>
    %sub3A = vector.broadcast %div3A_37 : vector<2000x1xf32> to vector<2000x128xf32>
    %sub3A_38 = arith.subf %add3A_34, %sub3A : vector<2000x128xf32>
    %square3A = arith.mulf %sub3A_38, %sub3A_38 : vector<2000x128xf32>
    %reduce_sum3A_39 = arith.constant dense<0.000000e+00> : vector<2000xf32>
    %reduce_sum3A_40 = vector.multi_reduction <add>, %square3A, %reduce_sum3A_39 [1] : vector<2000x128xf32> to vector<2000xf32>
    %broadcast_in_dim3A_41 = vector.shape_cast %reduce_sum3A_40 : vector<2000xf32> to vector<2000x1xf32>
    %div3A_42 = arith.constant 1.280000e+02 : f32
    %div3A_43 = vector.broadcast %div3A_42 : f32 to vector<2000x1xf32>
    %div3A_44 = arith.divf %broadcast_in_dim3A_41, %div3A_43 : vector<2000x1xf32>
    %sub3A_45 = vector.broadcast %div3A_37 : vector<2000x1xf32> to vector<2000x128xf32>
    %sub3A_46 = arith.subf %add3A_34, %sub3A_45 : vector<2000x128xf32>
    %add3A_47 = arith.constant 9.99999974E-6 : f32
    %add3A_48 = vector.broadcast %add3A_47 : f32 to vector<2000x1xf32>
    %add3A_49 = arith.addf %div3A_44, %add3A_48 : vector<2000x1xf32>
    %rsqrt3A = math.rsqrt %add3A_49 : vector<2000x1xf32>
    %mul3A_50 = vector.broadcast %rsqrt3A : vector<2000x1xf32> to vector<2000x128xf32>
    %mul3A_51 = arith.mulf %sub3A_46, %mul3A_50 : vector<2000x128xf32>
    %get3A_52 = arith.constant 0 : index
    %get3A_53 = arith.constant 0 : index
    %get3A_54 = vector.load %arg9[%get3A_52, %get3A_53] : memref<1x128xf32, #tpu.memory_space<vmem>>, vector<1x128xf32>
    %mul3A_55 = vector.broadcast %get3A_54 : vector<1x128xf32> to vector<2000x128xf32>
    %mul3A_56 = arith.mulf %mul3A_51, %mul3A_55 : vector<2000x128xf32>
    %get3A_57 = arith.constant 0 : index
    %get3A_58 = arith.constant 0 : index
    %get3A_59 = vector.load %arg10[%get3A_57, %get3A_58] : memref<1x128xf32, #tpu.memory_space<vmem>>, vector<1x128xf32>
    %add3A_60 = vector.broadcast %get3A_59 : vector<1x128xf32> to vector<2000x128xf32>
    %add3A_61 = arith.addf %mul3A_56, %add3A_60 : vector<2000x128xf32>
    %max3A = arith.constant 0.000000e+00 : f32
    %max3A_62 = vector.broadcast %max3A : f32 to vector<2000x128xf32>
    %max3A_63 = arith.maximumf %add3A_61, %max3A_62 : vector<2000x128xf32>
    %swap3A = arith.constant 0 : index
    %swap3A_64 = arith.constant 0 : index
    %swap3A_65 = vector.load %arg11[%swap3A, %swap3A_64] : memref<2000x128xf32, #tpu.memory_space<vmem>>, vector<2000x128xf32>
    tpu.vector_store %arg11[%swap3A, %swap3A_64], %max3A_63 {strides = array<i32>} : memref<2000x128xf32, #tpu.memory_space<vmem>>, vector<2000x128xf32>,
    return
  }
  func.func @transform_0(%arg0: i32) -> (i32, i32) {
    %c0_i32 = arith.constant 0 : i32
    %c0_i32_0 = arith.constant 0 : i32
    return %arg0, %c0_i32 : i32, i32
  }
  func.func @transform_1(%arg0: i32) -> (i32, i32, i32) {
    %c0_i32 = arith.constant 0 : i32
    %c0_i32_0 = arith.constant 0 : i32
    %c0_i32_1 = arith.constant 0 : i32
    return %c0_i32, %arg0, %c0_i32_0 : i32, i32, i32
  }
  func.func @transform_2(%arg0: i32) -> (i32, i32, i32) {
    %c1_i32 = arith.constant 1 : i32
    %c0_i32 = arith.constant 0 : i32
    %c0_i32_0 = arith.constant 0 : i32
    return %c1_i32, %arg0, %c0_i32 : i32, i32, i32
  }
  func.func @transform_3(%arg0: i32) -> (i32, i32) {
    %c0_i32 = arith.constant 0 : i32
    %c0_i32_0 = arith.constant 0 : i32
    return %arg0, %c0_i32 : i32, i32
  }
  func.func @transform_4(%arg0: i32) -> (i32, i32) {
    %c0_i32 = arith.constant 0 : i32
    %c0_i32_0 = arith.constant 0 : i32
    %c0_i32_1 = arith.constant 0 : i32
    return %c0_i32, %c0_i32_0 : i32, i32
  }
  func.func @transform_5(%arg0: i32) -> (i32, i32) {
    %c0_i32 = arith.constant 0 : i32
    %c0_i32_0 = arith.constant 0 : i32
    %c0_i32_1 = arith.constant 0 : i32
    return %c0_i32, %c0_i32_0 : i32, i32
  }
  func.func @transform_6(%arg0: i32) -> (i32, i32) {
    %c0_i32 = arith.constant 0 : i32
    %c0_i32_0 = arith.constant 0 : i32
    %c0_i32_1 = arith.constant 0 : i32
    return %c0_i32, %c0_i32_0 : i32, i32
  }
  func.func @transform_7(%arg0: i32) -> (i32, i32) {
    %c0_i32 = arith.constant 0 : i32
    %c0_i32_0 = arith.constant 0 : i32
    %c0_i32_1 = arith.constant 0 : i32
    return %c0_i32, %c0_i32_0 : i32, i32
  }
  func.func @transform_8(%arg0: i32) -> (i32, i32) {
    %c0_i32 = arith.constant 0 : i32
    %c0_i32_0 = arith.constant 0 : i32
    %c0_i32_1 = arith.constant 0 : i32
    return %c0_i32, %c0_i32_0 : i32, i32
  }
  func.func @transform_9(%arg0: i32) -> (i32, i32) {
    %c0_i32 = arith.constant 0 : i32
    %c0_i32_0 = arith.constant 0 : i32
    %c0_i32_1 = arith.constant 0 : i32
    return %c0_i32, %c0_i32_0 : i32, i32
  }
  func.func @transform_10(%arg0: i32) -> (i32, i32) {
    %c0_i32 = arith.constant 0 : i32
    %c0_i32_0 = arith.constant 0 : i32
    return %arg0, %c0_i32 : i32, i32
  }
}

</mosaic_0001>

<sc_bundles>
// kernel: kernel.4.cloned.1.call-start
scs
__scs_entry_jumppad:
0x0: {  	(pc) =	sbr.rel $0x88, $3  }
0x1: {  	(tag) =	ssettag $0x0;
	lr =	simm.s32 $0x1  }
0x2: {  	[smem:$0x3F99] =	sst lr;
	_ =	strace $0xD0000000  }
0x3: {  	_ = 	snop  }
0x4: {  	_ = 	snop  }
0x5: {  	_ = 	snop  }
0x6: {  	_ = 	snop  }
0x7: {  	_ = 	snop  }
__scs_overlays_trampoline_lowered:
0x8: {  	[smem:$0x3FA8] =	sst s0  }
0x9: {  	[smem:$0x3FA9] =	sst s1  }
0xa: {  	[smem:$0x3FAA] =	sst s2  }
0xb: {  	[smem:$0x3FAB] =	sst s3  }
0xc: {  	[smem:$0x3FAC] =	sst s4  }
0xd: {  	[smem:$0x3FAD] =	sst s5  }
0xe: {  	[smem:$0x3FAE] =	sst s6  }
0xf: {  	[smem:$0x3FAF] =	sst s7  }
0x10: {  	[smem:$0x3FB0] =	sst s8  }
0x11: {  	[smem:$0x3FB1] =	sst s9;
	s0 =	simm.s32 @!p0 $0x0  }
0x12: {  	s1 =	sld [smem:$0x3F97];
	s0 =	simm.s32 @p0 $0x1  }
0x13: {  	[smem:$0x3FB2] =	sst s0;
	s0 =	simm.s32 @!p1 $0x0  }
0x14: {  	s2 =	sld [smem:$0x3F96];
	s0 =	simm.s32 @p1 $0x1  }
0x15: {  	[smem:$0x3FB3] =	sst s0;
	s0 =	simm.s32 @!p2 $0x0  }
0x16: {  	s3 =	sld [smem:$0x3FDB];
	s0 =	simm.s32 @p2 $0x1  }
0x17: {  	s4 =	simm.s32 $0x1BF5;
	[smem:$0x3FB5] =	sst s0  }
0x18: {  	s0 =	sld [smem:$0x3F98];
	_ =	swait.ge [sflag:s4], $0x0  }
0x19: {  	s7 =	sld [smem:$0x3F99]  }
0x1a: {  	s8 =	sadd.s32 $0xFFFFE003, lr  }
0x1b: {  	s9 =	sadd.s32 $0xFFFFFEF7, lr;
	s5 =	simm.s32 $0xFFFFFFFF;
	p2 =	slt.u32 s8, $0xFFFFF086  }
0x1c: {  	p1 =	slt.u32 s9, $0xF7A;
	s5 =	simm.s32 @!p2 $0x0  }
0x1d: {  	s5 =	simm.s32 @p1 $0x1;
	p0 =	seq.s32 s7, s2  }
0x1e: {  	s7 =	smul.u32 @!p0 $0xF7A, s2;
	p2 =	seq.s32 @!p0 s5, $0x0  }
0x1f: {  	s9 =	smul.u32 $0xF7A, s1;
	s8 =	simm.s32 @!p0 $0x1BF5;
	p2 =	por !p2, p0  }
0x20: {  	[sflag:s8] =	ssyncset.s32 @!p0 $0xFFFFF086;
	s6 =	sadd.s32 @!p0 s3, s7;
	s7 =	simm.s32 @!p0 $0x108  }
0x21: {  	s3 =	sadd.s32 s3, s9;
	s6 =	sadd.s32 @!p0 $0x88, s6;
	s7 =	simm.s32 @p2 $0x1082  }
0x22: {  	[simem:s7], [sflag:s8] =	dma.local @!p0 [hbm:s6], $0xF7A  }
0x23: {  	s9 =	sor.u32 $0xD0000000, s2;
	s6 =	simm.s32 $0x108;
	_ =	swait.ge @!p0 [sflag:s8], $0x0  }
0x24: {  	s3 =	sadd.s32 $0x88, s3;
	s6 =	simm.s32 @!p1 $0x1082;
	[sflag:s4] =	ssyncset.s32 $0xFFFFF086  }
0x25: {  	[simem:s6], [sflag:s4] =	dma.local [hbm:s3], $0xF7A  }
0x26: {  	[smem:$0x3F99] =	sst s1;
	(tag) =	ssettag s2;
	_ =	strace s9  }
0x27: {  	s1 =	sld [smem:$0x3FA9]  }
0x28: {  	s2 =	sld [smem:$0x3FAA]  }
0x29: {  	s4 =	sld [smem:$0x3FAC]  }
0x2a: {  	p0 =	seq.s32 s5, $0x0;
	s5 =	sld [smem:$0x3FAD]  }
0x2b: {  	s6 =	sld [smem:$0x3FAE]  }
0x2c: {  	s7 =	sld [smem:$0x3FAF]  }
0x2d: {  	s3 =	simm.s32 $0x108;
	s8 =	sld [smem:$0x3FB0]  }
0x2e: {  	s3 =	simm.s32 @!p0 $0x1082;
	s9 =	sld [smem:$0x3FB1]  }
0x2f: {  	lr =	sadd.s32 s0, s3;
	s0 =	sld [smem:$0x3FA8]  }
0x30: {  	s3 =	sld [smem:$0x3FAB]  }
0x31: {  	[smem:$0x3FB4] =	sst s10  }
0x32: {  	s10 =	sld [smem:$0x3FB2];
	_ =	sdelay $0x3  }
0x33: {  	p0 =	seq.s32 s10, $0x1;
	s10 =	sld [smem:$0x3FB4];
	_ =	sdelay $0x3  }
0x34: {  	[smem:$0x3FB4] =	sst s10  }
0x35: {  	s10 =	sld [smem:$0x3FB3];
	_ =	sdelay $0x3  }
0x36: {  	p1 =	seq.s32 s10, $0x1;
	s10 =	sld [smem:$0x3FB4];
	_ =	sdelay $0x3  }
0x37: {  	[smem:$0x3FB4] =	sst s10  }
0x38: {  	s10 =	sld [smem:$0x3FB5]  }
0x39: {  	_ = 	snop;
	(pc) =	sbr.ind lr, $3  }
0x3a: {  	_ = 	snop  }
0x3b: {  	_ = 	snop  }
0x3c: {  	p2 =	seq.s32 s10, $0x1;
	s10 =	sld [smem:$0x3FB4]  }
0x3d: {  	_ =	shalt  }
0x3e: {  	_ =	shalt  }
0x3f: {  	_ =	shalt  }
0x40: {  	_ =	shalt  }
0x41: {  	_ =	shalt  }
0x42: {  	_ =	shalt  }
0x43: {  	_ =	shalt  }
0x44: {  	_ =	shalt  }
0x45: {  	_ =	shalt  }
0x46: {  	_ =	shalt  }
0x47: {  	_ =	shalt  }
0x48: {  	_ =	shalt  }
0x49: {  	_ =	shalt  }
0x4a: {  	_ =	shalt  }
0x4b: {  	_ =	shalt  }
0x4c: {  	_ =	shalt  }
0x4d: {  	_ =	shalt  }
0x4e: {  	_ =	shalt  }
0x4f: {  	_ =	shalt  }
0x50: {  	_ =	shalt  }
0x51: {  	_ =	shalt  }
0x52: {  	_ =	shalt  }
0x53: {  	_ =	shalt  }
0x54: {  	_ =	shalt  }
0x55: {  	_ =	shalt  }
0x56: {  	_ =	shalt  }
0x57: {  	_ =	shalt  }
0x58: {  	_ =	shalt  }
0x59: {  	_ =	shalt  }
0x5a: {  	_ =	shalt  }
0x5b: {  	_ =	shalt  }
0x5c: {  	_ =	shalt  }
0x5d: {  	_ =	shalt  }
0x5e: {  	_ =	shalt  }
0x5f: {  	_ =	shalt  }
0x60: {  	_ =	shalt  }
0x61: {  	_ =	shalt  }
0x62: {  	_ =	shalt  }
0x63: {  	_ =	shalt  }
0x64: {  	_ =	shalt  }
0x65: {  	_ =	shalt  }
0x66: {  	_ =	shalt  }
0x67: {  	_ =	shalt  }
0x68: {  	_ =	shalt  }
0x69: {  	_ =	shalt  }
0x6a: {  	_ =	shalt  }
0x6b: {  	_ =	shalt  }
0x6c: {  	_ =	shalt  }
0x6d: {  	_ =	shalt  }
0x6e: {  	_ =	shalt  }
0x6f: {  	_ =	shalt  }
0x70: {  	_ =	shalt  }
0x71: {  	_ =	shalt  }
0x72: {  	_ =	shalt  }
0x73: {  	_ =	shalt  }
0x74: {  	_ =	shalt  }
0x75: {  	_ =	shalt  }
0x76: {  	_ =	shalt  }
0x77: {  	_ =	shalt  }
0x78: {  	_ =	shalt  }
0x79: {  	_ =	shalt  }
0x7a: {  	_ =	shalt  }
0x7b: {  	_ =	shalt  }
0x7c: {  	_ =	shalt  }
0x7d: {  	_ =	shalt  }
0x7e: {  	_ =	shalt  }
0x7f: {  	_ =	shalt  }
0x80: {  	_ =	shalt  }
0x81: {  	_ =	shalt  }
0x82: {  	_ =	shalt  }
0x83: {  	_ =	shalt  }
0x84: {  	_ =	shalt  }
0x85: {  	_ =	shalt  }
0x86: {  	_ =	shalt  }
0x87: {  	_ =	shalt  }
.Lfunc_end0:
.L_simem_size_0:
called_computation_lowered:
.L_overlay_start_0:
0x88: {  	s2 =	sld [smem:$0x3FD9]  }
0x89: {  	s3 =	sld [smem:$0x3FFE];
	_ =	sdelay $0x1  }
0x8a: {  	s1 =	srdreg.scid  }
0x8b: {  	s0 =	sand.u32 $0x1, s1  }
0x8c: {  	s17 =	sshll.u32 s0, $0xA;
	s2 =	sadd.s32 s3, s2  }
0x8d: {  	s2 =	sadd.s32 s2, s17  }
0x8e: {  	[smem:$0x3FC0] =	sst s2  }
0x8f: {  	_ = 	snop  }
0x90: {  	s2 =	sld [smem:$0x3FC9]  }
0x91: {  	s18 =	sld [smem:$0x3FD0];
	(tm) =	ssettm $0x1  }
0x92: {  	s4 =	sld [smem:$0x3FFB];
	_ =	sdelay $0x3  }
0x93: {  	_ =	strace s4  }
0x94: {  	s4 =	sld [smem:$0x3FFC];
	_ =	sdelay $0x3  }
0x95: {  	_ =	strace s4  }
0x96: {  	s4 =	sld [smem:$0x3FFD];
	_ =	sdelay $0x3  }
0x97: {  	_ =	strace s4  }
0x98: {  	_ =	strace $0x8FFFFFFF  }
0x99: {  	s19 =	sld [smem:$0x3FDB];
	_ =	sdelay $0x1  }
0x9a: {  	s5 =	simm.s32 $_scs_section_size  }
0x9b: {  	s6 =	simm.s32 $_size__tile_overlayer_lowered;
	s7 =	simm.s32 $_tile_overlayer_lowered  }
0x9c: {  	s22 =	simm.s32 $0x1BFF;
	s21 =	sshll.u32 s7, $0x1;
	s4 =	sadd.s32 s5, s19  }
0x9d: {  	s8 =	simm.s32 $0x0;
	s20 =	sshll.u32 s6, $0x1;
	s6 =	sadd.s32 s21, s4  }
0x9e: {  	[timem:s8], [sflag:s22] =	dma.local [hbm:s6], s20  }
0x9f: {  	_ =	swait.ge [sflag:s22], s20  }
0xa0: {  	s5 =	ssub.s32 $0x0, s20;
	[sflag:s22] =	ssyncset.done $0x0  }
0xa1: {  	[sflag:s22] =	ssyncadd.s32 s5;
	_ =	sdelay $0x1  }
0xa2: {  	s23 =	simm.s32 $0x1B8B  }
0xa3: {  	_ =	swait.ge [sflag:s23], $0x1  }
0xa4: {  	[sflag:s23] =	ssyncset.done $0x0  }
0xa5: {  	s25 =	simm.s32 $0x1B8E;
	s24 =	sld [smem:$0x3FFE];
	[sflag:s23] =	ssyncadd.s32 $0xFFFFFFFF  }
0xa6: {  	s26 =	simm.s32 $execute0_lowered;
	[smem:$0x3FD2] =	sst s25  }
0xa7: {  	s6 =	sshll.u32 s26, $0x1;
	_ =	strace $0x80000046;
	[dreg:$0x1] =	wrdreg $0xFFFFFFFF  }
0xa8: {  	s28 =	simm.s32 $_size_execute0_lowered;
	s4 =	sadd.s32 s4, s6;
	[dreg:$0x0] =	wrdreg $0x0  }
0xa9: {  	s6 =	sshll.u32 s28, $0x1;
	[dreg:$0x2] =	wrdreg s4  }
0xaa: {  	[dreg:$0x3] =	wrdreg s6  }
0xab: {  	[dreg:$0x4] =	wrdreg $0xC0  }
0xac: {  	_ =	task [dreg:s8], $0x5FFFF  }
0xad: {  	[dreg:$0x1] =	wrdreg $0xFFFFFFFF  }
0xae: {  	[dreg:$0x0] =	wrdreg $0x60  }
0xaf: {  	[dreg:$0x2] =	wrdreg s2  }
0xb0: {  	[dreg:$0x3] =	wrdreg s18  }
0xb1: {  	[dreg:$0x4] =	wrdreg s24  }
0xb2: {  	[dreg:$0x5] =	wrdreg $0xA8000  }
0xb3: {  	[dreg:$0x6] =	wrdreg $0x9  }
0xb4: {  	_ =	task.clear_ibuf [dreg:s8], $0x7FFFF;
	_ =	strace $0x90000046  }
0xb5: {  	s29 =	simm.s32 $0x9;
	_ =	strace $0x80000048  }
0xb6: {  	_ =	swait.ge [sflag:s29], $0x1  }
0xb7: {  	[sflag:s29] =	ssyncadd.s32 $0xFFFFFFFF  }
0xb8: {  	_ =	strace $0x90000048  }
0xb9: {  	_ =	sfence  }
0xba: {  	s30 =	sld [smem:$0x0];
	_ =	sdelay $0x2  }
0xbb: {  	s31 =	sshll.u32 s1, $0xD;
	s1 =	sshrl.u32 s1, $0x2  }
0xbc: {  	s3 =	sand.u32 $0x4000, s31;
	s1 =	sadd.s32 s1, s30  }
0xbd: {  	s0 =	sor.u32 s3, s0;
	s1 =	sshll.u32 s1, $0x11  }
0xbe: {  	s0 =	sor.u32 s1, s0  }
0xbf: {  	s0 =	sadd.s32 $0x8F2B, s0  }
0xc0: {  	[sflag:s0] =	ssyncadd.remote.s32 $0x1  }
0xc1: {  	_ =	sfence.sel $0xFFFF  }
0xc2: {  	[dreg:$0x0] =	wrdreg $0xFFFFFFFF;
	(pc) =	sbr.abs _section_cstart, $3  }
0xc3: {  	[dreg:$0x1] =	wrdreg $0xFFFFFFFF  }
0xc4: {  	_ =	task.clear_ibuf [dreg:s8], $0x2FFFF;
	_ =	strace $0x9FFFFFFF  }
0xc5: {  	(tm) =	ssettm $0x7FFFFFFF  }
tec
execute0_lowered:
.L_overlay_start_1:
0x0: {  	(tag) =	ssettag $0x1  }
0x1: {  	s0 =	rddreg [dreg:$0x0]  }
0x2: {  	s6 =	rddreg [dreg:$0x1]  }
0x3: {  	s7 =	rddreg [dreg:$0x2];
	s1 =	srdreg.scid  }
0x4: {  	s3 =	rddreg [dreg:$0x3];
	s2 =	stileid.u32  }
0x5: {  	s4 =	simm.s32 $0x0;
	s16 =	simm.s32 $0x80;
	s17 =	simm.s32 $0x2800  }
0x6: {  	s18 =	simm.s32 $0x1;
	s19 =	simm.s32 $0x6800;
	s20 =	simm.s32 $0x2  }
0x7: {  	s21 =	simm.s32 $0x1380;
	s22 =	simm.s32 $0x2700;
	s9 =	smul.u32 $0x13C00, s2  }
0x8: {  	s23 =	simm.s32 $0x2780;
	s24 =	simm.s32 $0x0;
	s10 =	smul.u32 $0x50, s2  }
0x9: {  	s8 =	sand.u32 $0x1, s1;
	s1 =	rddreg [dreg:$0x4];
	s12 =	smul.u32 $0x4F000, s2  }
0xa: {  	[smem:$0x7FF] =	sst s4;
	s31 =	sshll.u32 s2, $0x6;
	s5 =	smul.u32 $0x13C000, s8  }
0xb: {  	_ =	strace $0x80000047;
	s11 =	ssub.s32 $0x2, s8;
	p0 =	seq.s32 s8, $0x0  }
0xc: {  	s8 =	sadd.s32 $0x500, s10;
	s29 =	sshrl.u32 s11, $0x1;
	s30 =	sshrl.u32 s12, $0x2  }
0xd: {  	s9 =	sadd.s32 s9, s5;
	s5 =	sadd.s32 $0x2200, s7;
	s8 =	smov.u32 @p0 s10  }
0xe: {  	s14 =	ssub.s32 s11, s29;
	s15 =	sadd.s32 s30, s3;
	s9 =	sshrl.u32 s9, $0x3  }
0xf: {  	s8 =	sshll.u32 s8, $0x4;
	s12 =	smax.u32 s14, $0x1;
	s14 =	simm.s32 $0x3  }
0x10: {  	s13 =	sadd.s32 s9, s7;
	s6 =	sadd.s32 s6, s8;
	s7 =	sor.u32 $0x1C03, s31  }
0x11: {  	s8 =	sadd.s32 $0xA000, s6;
	s9 =	sadd.s32 $0x280, s6;
	s10 =	sadd.s32 $0xA280, s6  }
0x12: {  	s11 =	sadd.s32 $0x4A00, s13;
	s13 =	sshrl.u32 s15, $0x3;
	s15 =	simm.s32 $0x1400  }
.LBB2_1:
0x13: {  	[spmem:s13], [sflag:s7] =	dma.local [hbm:s5], $0x2780  }
0x14: {  	_ =	swait.ge [sflag:s14], $0x2780  }
0x15: {  	[sflag:s14] =	ssyncset.done $0x0  }
0x16: {  	[sflag:s14] =	ssyncadd.s32 $0xFFFFD880  }
0x17: {  	[bflag:$0x0] =	sbarrier.arrive $0xFFFF  }
0x18: {  	[tilespmem:s4], [sflag:$0x3] =	stream.linear.gather [hbm4b:s6+s4], $0x1400, $0x38;
	[tilespmem:$0x1E400] =	vst v63  }
0x19: {  	_ =	swait.ge [sflag:s14], $0x1400  }
0x1a: {  	[sflag:s14] =	ssyncset.done $0x0  }
0x1b: {  	[sflag:s14] =	ssyncadd.s32 $0xFFFFEC00  }
0x1c: {  	[tilespmem:s15], [sflag:$0x3] =	stream.linear.gather [hbm4b:s8+s4], $0x1400, $0x38;
	[tilespmem:$0x1E400] =	vst v63  }
0x1d: {  	_ =	swait.ge [sflag:s14], $0x1400  }
0x1e: {  	[sflag:s14] =	ssyncset.done $0x0  }
0x1f: {  	[sflag:s14] =	ssyncadd.s32 $0xFFFFEC00  }
0x20: {  	[tilespmem:s17], [sflag:$0x1] =	stream.indirect.gather [hbm4b:s0+s16], $0x80, s4, s16, $0xb8;
	[tilespmem:$0x1E400] =	vst v63  }
0x21: {  	_ =	swait.ge [sflag:s18], $0x4000  }
0x22: {  	[sflag:s18] =	ssyncset.done $0x0  }
0x23: {  	s25 =	simm.s32 $0x80;
	[sflag:s18] =	ssyncadd.s32 $0xFFFFC000  }
0x24: {  	[tilespmem:s19], [sflag:$0x2] =	stream.indirect.gather [hbm4b:s0+s16], $0x80, s25, s16, $0xb8;
	[tilespmem:$0x1E400] =	vst v63  }
0x25: {  	s29 =	simm.s32 $0x1400  }
0x26: {  	[spmem:s3] =	stream.indirect.scatter.add.f32 [tilespmem:s17], [sflag:$0x3], $0x80, s29, s16, $0xb8;
	[tilespmem:$0x1E400] =	vst v63  }
0x27: {  	_ =	swait.ge [sflag:s14], $0x4000  }
0x28: {  	[sflag:s14] =	ssyncset.done $0x0  }
0x29: {  	[sflag:s14] =	ssyncadd.s32 $0xFFFFC000  }
0x2a: {  	_ =	swait.ge [sflag:s20], $0x4000  }
0x2b: {  	[sflag:s20] =	ssyncset.done $0x0  }
0x2c: {  	s30 =	simm.s32 $0x100;
	[sflag:s20] =	ssyncadd.s32 $0xFFFFC000  }
0x2d: {  	[tilespmem:s17], [sflag:$0x1] =	stream.indirect.gather [hbm4b:s0+s16], $0x80, s30, s16, $0xb8;
	[tilespmem:$0x1E400] =	vst v63  }
0x2e: {  	s31 =	simm.s32 $0x1480  }
0x2f: {  	[spmem:s3] =	stream.indirect.scatter.add.f32 [tilespmem:s19], [sflag:$0x3], $0x80, s31, s16, $0xb8;
	[tilespmem:$0x1E400] =	vst v63  }
0x30: {  	_ =	swait.ge [sflag:s14], $0x4000  }
0x31: {  	s25 =	simm.s32 $0x400;
	[sflag:s14] =	ssyncset.done $0x0  }
.LBB2_2:
0x32: {  	p0 =	sne.s32 s25, $0x4800  }
0x33: {  	[sflag:s14] =	ssyncadd.s32 $0xFFFFC000;
	s26 =	smov.u32 s25;
	s25 =	sadd.s32 $0x400, s25  }
0x34: {  	_ = 	snop  }
0x35: {  	_ =	swait.ge [sflag:s18], $0x4000  }
0x36: {  	s26 =	sshra.s32 s26, $0x2;
	[sflag:s18] =	ssyncset.done $0x0  }
0x37: {  	s28 =	sadd.s32 $0x80, s26;
	[sflag:s18] =	ssyncadd.s32 $0xFFFFC000  }
0x38: {  	[tilespmem:s19], [sflag:$0x2] =	stream.indirect.gather [hbm4b:s0+s16], $0x80, s28, s16, $0xb8;
	[tilespmem:$0x1E400] =	vst v63  }
0x39: {  	s28 =	sadd.s32 $0x1400, s26  }
0x3a: {  	[spmem:s3] =	stream.indirect.scatter.add.f32 [tilespmem:s17], [sflag:$0x3], $0x80, s28, s16, $0xb8;
	[tilespmem:$0x1E400] =	vst v63  }
0x3b: {  	_ =	swait.ge [sflag:s14], $0x4000  }
0x3c: {  	[sflag:s14] =	ssyncset.done $0x0  }
0x3d: {  	[sflag:s14] =	ssyncadd.s32 $0xFFFFC000  }
0x3e: {  	_ =	swait.ge [sflag:s20], $0x4000  }
0x3f: {  	[sflag:s20] =	ssyncset.done $0x0  }
0x40: {  	s28 =	sadd.s32 $0x100, s26;
	[sflag:s20] =	ssyncadd.s32 $0xFFFFC000  }
0x41: {  	[tilespmem:s17], [sflag:$0x1] =	stream.indirect.gather [hbm4b:s0+s16], $0x80, s28, s16, $0xb8;
	[tilespmem:$0x1E400] =	vst v63  }
.Ltmp0:
0x42: {  	_ = 	snop;
	(pc) =	sbr.rel @p0 .LBB2_2-.Ltmp0, $4  }
0x43: {  	s26 =	sadd.s32 $0x1480, s26  }
0x44: {  	[spmem:s3] =	stream.indirect.scatter.add.f32 [tilespmem:s19], [sflag:$0x3], $0x80, s26, s16, $0xb8;
	[tilespmem:$0x1E400] =	vst v63  }
0x45: {  	_ =	swait.ge [sflag:s14], $0x4000  }
0x46: {  	[sflag:s14] =	ssyncset.done $0x0  }
0x47: {  	[sflag:s14] =	ssyncadd.s32 $0xFFFFC000  }
0x48: {  	_ =	swait.ge [sflag:s18], $0x4000  }
0x49: {  	[sflag:s18] =	ssyncset.done $0x0  }
0x4a: {  	[sflag:s18] =	ssyncadd.s32 $0xFFFFC000  }
0x4b: {  	[tilespmem:s19], [sflag:$0x2] =	stream.indirect.gather [hbm4b:s0+s16], $0x80, s21, s16, $0xb8;
	[tilespmem:$0x1E400] =	vst v63  }
0x4c: {  	_ = 	snop  }
0x4d: {  	[spmem:s3] =	stream.indirect.scatter.add.f32 [tilespmem:s17], [sflag:$0x3], $0x80, s22, s16, $0xb8;
	[tilespmem:$0x1E400] =	vst v63  }
0x4e: {  	_ =	swait.ge [sflag:s14], $0x4000  }
0x4f: {  	[sflag:s14] =	ssyncset.done $0x0  }
0x50: {  	[sflag:s14] =	ssyncadd.s32 $0xFFFFC000  }
0x51: {  	_ =	swait.ge [sflag:s20], $0x4000  }
0x52: {  	[sflag:s20] =	ssyncset.done $0x0  }
0x53: {  	[sflag:s20] =	ssyncadd.s32 $0xFFFFC000  }
0x54: {  	[spmem:s3] =	stream.indirect.scatter.add.f32 [tilespmem:s19], [sflag:$0x3], $0x80, s23, s16, $0xb8;
	[tilespmem:$0x1E400] =	vst v63  }
0x55: {  	_ =	swait.ge [sflag:s14], $0x4000  }
0x56: {  	[sflag:s14] =	ssyncset.done $0x0  }
0x57: {  	s25 =	simm.s32 $0x0;
	[sflag:s14] =	ssyncadd.s32 $0xFFFFC000  }
0x58: {  	[tilespmem:s25], [sflag:$0x3] =	stream.linear.gather [hbm4b:s9+s25], $0x1400, $0x38;
	[tilespmem:$0x1E400] =	vst v63  }
0x59: {  	_ =	swait.ge [sflag:s14], $0x1400  }
0x5a: {  	[sflag:s14] =	ssyncset.done $0x0  }
0x5b: {  	[sflag:s14] =	ssyncadd.s32 $0xFFFFEC00  }
0x5c: {  	[tilespmem:s15], [sflag:$0x3] =	stream.linear.gather [hbm4b:s10+s25], $0x1400, $0x38;
	[tilespmem:$0x1E400] =	vst v63  }
0x5d: {  	_ =	swait.ge [sflag:s14], $0x1400  }
0x5e: {  	[sflag:s14] =	ssyncset.done $0x0  }
0x5f: {  	[sflag:s14] =	ssyncadd.s32 $0xFFFFEC00  }
0x60: {  	[tilespmem:s17], [sflag:$0x1] =	stream.indirect.gather [hbm4b:s0+s16], $0x80, s25, s16, $0xb8;
	[tilespmem:$0x1E400] =	vst v63  }
0x61: {  	_ =	swait.ge [sflag:s18], $0x4000  }
0x62: {  	[sflag:s18] =	ssyncset.done $0x0  }
0x63: {  	s28 =	simm.s32 $0x80;
	[sflag:s18] =	ssyncadd.s32 $0xFFFFC000  }
0x64: {  	[tilespmem:s19], [sflag:$0x2] =	stream.indirect.gather [hbm4b:s0+s16], $0x80, s28, s16, $0xb8;
	[tilespmem:$0x1E400] =	vst v63  }
0x65: {  	s29 =	simm.s32 $0x1400  }
0x66: {  	[spmem:s3] =	stream.indirect.scatter.add.f32 [tilespmem:s17], [sflag:$0x3], $0x80, s29, s16, $0xb8;
	[tilespmem:$0x1E400] =	vst v63  }
0x67: {  	_ =	swait.ge [sflag:s14], $0x4000  }
0x68: {  	[sflag:s14] =	ssyncset.done $0x0  }
0x69: {  	[sflag:s14] =	ssyncadd.s32 $0xFFFFC000  }
0x6a: {  	_ =	swait.ge [sflag:s20], $0x4000  }
0x6b: {  	[sflag:s20] =	ssyncset.done $0x0  }
0x6c: {  	s30 =	simm.s32 $0x100;
	[sflag:s20] =	ssyncadd.s32 $0xFFFFC000  }
0x6d: {  	[tilespmem:s17], [sflag:$0x1] =	stream.indirect.gather [hbm4b:s0+s16], $0x80, s30, s16, $0xb8;
	[tilespmem:$0x1E400] =	vst v63  }
0x6e: {  	s31 =	simm.s32 $0x1480  }
0x6f: {  	[spmem:s3] =	stream.indirect.scatter.add.f32 [tilespmem:s19], [sflag:$0x3], $0x80, s31, s16, $0xb8;
	[tilespmem:$0x1E400] =	vst v63  }
0x70: {  	_ =	swait.ge [sflag:s14], $0x4000  }
0x71: {  	s25 =	simm.s32 $0x400;
	[sflag:s14] =	ssyncset.done $0x0  }
.LBB2_4:
0x72: {  	p0 =	sne.s32 s25, $0x4800  }
0x73: {  	[sflag:s14] =	ssyncadd.s32 $0xFFFFC000;
	s26 =	smov.u32 s25;
	s25 =	sadd.s32 $0x400, s25  }
0x74: {  	_ = 	snop  }
0x75: {  	_ =	swait.ge [sflag:s18], $0x4000  }
0x76: {  	s26 =	sshra.s32 s26, $0x2;
	[sflag:s18] =	ssyncset.done $0x0  }
0x77: {  	s28 =	sadd.s32 $0x80, s26;
	[sflag:s18] =	ssyncadd.s32 $0xFFFFC000  }
0x78: {  	[tilespmem:s19], [sflag:$0x2] =	stream.indirect.gather [hbm4b:s0+s16], $0x80, s28, s16, $0xb8;
	[tilespmem:$0x1E400] =	vst v63  }
0x79: {  	s28 =	sadd.s32 $0x1400, s26  }
0x7a: {  	[spmem:s3] =	stream.indirect.scatter.add.f32 [tilespmem:s17], [sflag:$0x3], $0x80, s28, s16, $0xb8;
	[tilespmem:$0x1E400] =	vst v63  }
0x7b: {  	_ =	swait.ge [sflag:s14], $0x4000  }
0x7c: {  	[sflag:s14] =	ssyncset.done $0x0  }
0x7d: {  	[sflag:s14] =	ssyncadd.s32 $0xFFFFC000  }
0x7e: {  	_ =	swait.ge [sflag:s20], $0x4000  }
0x7f: {  	[sflag:s20] =	ssyncset.done $0x0  }
0x80: {  	s28 =	sadd.s32 $0x100, s26;
	[sflag:s20] =	ssyncadd.s32 $0xFFFFC000  }
0x81: {  	[tilespmem:s17], [sflag:$0x1] =	stream.indirect.gather [hbm4b:s0+s16], $0x80, s28, s16, $0xb8;
	[tilespmem:$0x1E400] =	vst v63  }
.Ltmp1:
0x82: {  	_ = 	snop;
	(pc) =	sbr.rel @p0 .LBB2_4-.Ltmp1, $4  }
0x83: {  	s26 =	sadd.s32 $0x1480, s26  }
0x84: {  	[spmem:s3] =	stream.indirect.scatter.add.f32 [tilespmem:s19], [sflag:$0x3], $0x80, s26, s16, $0xb8;
	[tilespmem:$0x1E400] =	vst v63  }
0x85: {  	_ =	swait.ge [sflag:s14], $0x4000  }
0x86: {  	[sflag:s14] =	ssyncset.done $0x0  }
0x87: {  	[sflag:s14] =	ssyncadd.s32 $0xFFFFC000  }
0x88: {  	_ =	swait.ge [sflag:s18], $0x4000  }
0x89: {  	[sflag:s18] =	ssyncset.done $0x0  }
0x8a: {  	[sflag:s18] =	ssyncadd.s32 $0xFFFFC000  }
0x8b: {  	[tilespmem:s19], [sflag:$0x2] =	stream.indirect.gather [hbm4b:s0+s16], $0x80, s21, s16, $0xb8;
	[tilespmem:$0x1E400] =	vst v63  }
0x8c: {  	_ = 	snop  }
0x8d: {  	[spmem:s3] =	stream.indirect.scatter.add.f32 [tilespmem:s17], [sflag:$0x3], $0x80, s22, s16, $0xb8;
	[tilespmem:$0x1E400] =	vst v63  }
0x8e: {  	_ =	swait.ge [sflag:s14], $0x4000  }
0x8f: {  	[sflag:s14] =	ssyncset.done $0x0  }
0x90: {  	[sflag:s14] =	ssyncadd.s32 $0xFFFFC000  }
0x91: {  	_ =	swait.ge [sflag:s20], $0x4000  }
0x92: {  	[sflag:s20] =	ssyncset.done $0x0  }
0x93: {  	[sflag:s20] =	ssyncadd.s32 $0xFFFFC000  }
0x94: {  	[spmem:s3] =	stream.indirect.scatter.add.f32 [tilespmem:s19], [sflag:$0x3], $0x80, s23, s16, $0xb8;
	[tilespmem:$0x1E400] =	vst v63  }
0x95: {  	_ =	swait.ge [sflag:s14], $0x4000  }
0x96: {  	s24 =	sadd.s32 $0x1, s24;
	[sflag:s14] =	ssyncset.done $0x0  }
0x97: {  	p0 =	sne.s32 s24, s12;
	[sflag:s14] =	ssyncadd.s32 $0xFFFFC000  }
.Ltmp2:
0x98: {  	[bflag:$0x0] =	sbarrier.arrive $0xFFFF;
	(pc) =	sbr.rel @p0 .LBB2_1-.Ltmp2, $4  }
0x99: {  	[hbm:s11], [sflag:s7] =	dma.local [spmem:s13], $0x2780  }
0x9a: {  	_ =	swait.ge [sflag:s14], $0x2780  }
0x9b: {  	[sflag:s14] =	ssyncset.done $0x0  }
0x9c: {  	[sflag:s14] =	ssyncadd.s32 $0xFFFFD880  }
0x9d: {  	_ =	sfence.sel $0x180000  }
0x9e: {  	[bflag:$0x0] =	sbarrier.arrive $0xFFFF  }
0x9f: {  	p0 =	sne.s32 s2, $0x0;
	_ =	strace $0x90000047  }
0xa0: {  	s0 =	sadd.s32 @!p0 $0x100000, s1;
	[bflag:$0x2] =	sbarrier.arrive $0xFFFF  }
0xa1: {  	[sflag:s0] =	ssyncadd.tile.s32 @!p0 $0x1;
	_ =	shalt  }
.Lfunc_end2:
_tile_overlayer_lowered:
.L_overlay_start_2:
0xa2: {  	(tag) =	ssettag $0x2  }
0xa3: {  	s0 =	rddreg [dreg:$0x0];
	s2 =	stileid.u32  }
0xa4: {  	s1 =	rddreg [dreg:$0x1];
	p0 =	sne.s32 s2, $0x0  }
0xa5: {  	s3 =	rddreg [dreg:$0x2];
	[bflag:$0x3] =	sbarrier.arrive $0xFFFF;
	s2 =	simm.s32 @!p0 $0x1C03  }
0xa6: {  	[timem:s3], [sflag:s2] =	dma.local @!p0 [hbm:s0], s1  }
0xa7: {  	s0 =	simm.s32 @!p0 $0x3  }
0xa8: {  	_ =	swait.ge @!p0 [sflag:s0], s1  }
0xa9: {  	s1 =	ssub.s32 @!p0 $0x0, s1;
	[sflag:s0] =	ssyncset.done @!p0 $0x0  }
0xaa: {  	[sflag:s0] =	ssyncadd.s32 @!p0 s1  }
0xab: {  	[bflag:$0x3] =	sbarrier.arrive $0xFFFF  }
0xac: {  	_ =	shalt  }

</sc_bundles>
